<compile_context>
chip_gen: v7x
topology: tpu7x:2x2x1
jax: 0.10.2.dev20260603
libtpu: 0.0.44.dev20260713+nightly
codegen_flags: <defaults>
</compile_context>

<pallas_src>
import functools

import jax
import jax.numpy as jnp
from jax import lax
from jax.experimental import pallas as pl
from jax.experimental.pallas import tpu as pltpu
from jax.experimental.pallas import tpu_sc as plsc

_CH = 128
_EPS = 1e-5


def _sc_gather(mesh_nfeat, grid_nfeat, src, dst):
    E = src.shape[0]
    D = mesh_nfeat.shape[1]
    info = plsc.get_sparse_core_info()
    NC, NS = info.num_cores, info.num_subcores
    NW = NC * NS
    n_chunks = E // _CH
    max_t = (n_chunks + NW - 1) // NW
    mesh = plsc.VectorSubcoreMesh(core_axis_name="c", subcore_axis_name="s")

    @functools.partial(
        pl.kernel,
        out_type=(jax.ShapeDtypeStruct((E, D), jnp.float32),
                  jax.ShapeDtypeStruct((E, D), jnp.float32)),
        mesh=mesh,
        scratch_types=[
            pltpu.VMEM((_CH,), jnp.int32),
            pltpu.VMEM((_CH,), jnp.int32),
            pltpu.VMEM((_CH, D), jnp.float32),
            pltpu.VMEM((_CH, D), jnp.float32),
            pltpu.SemaphoreType.DMA,
            pltpu.SemaphoreType.DMA,
        ],
    )
    def k(mesh_hbm, grid_hbm, src_hbm, dst_hbm, ms_out, gd_out,
          sidx, didx, srows, drows, sem0, sem1):
        wid = lax.axis_index("s") * NC + lax.axis_index("c")

        @pl.loop(0, max_t)
        def _(t):
            c = wid + NW * t

            @pl.when(c < n_chunks)
            def _():
                off = c * _CH
                pltpu.sync_copy(src_hbm.at[pl.ds(off, _CH)], sidx)
                pltpu.sync_copy(dst_hbm.at[pl.ds(off, _CH)], didx)
                cs = pltpu.async_copy(mesh_hbm.at[sidx], srows, sem0)
                cd = pltpu.async_copy(grid_hbm.at[didx], drows, sem1)
                cs.wait()
                pltpu.sync_copy(srows, ms_out.at[pl.ds(off, _CH)])
                cd.wait()
                pltpu.sync_copy(drows, gd_out.at[pl.ds(off, _CH)])

    return k(mesh_nfeat, grid_nfeat, src, dst)


def _sc_scatter(efeat, dst, n_out):
    E, D = efeat.shape
    info = plsc.get_sparse_core_info()
    NC, NS = info.num_cores, info.num_subcores
    NW = NC * NS
    n_chunks = E // _CH
    max_t = (n_chunks + NW - 1) // NW
    n_full = n_out // _CH
    n_tail = n_out - n_full * _CH
    max_r = (n_full + NS - 1) // NS
    mesh = plsc.VectorSubcoreMesh(core_axis_name="c", subcore_axis_name="s")

    @functools.partial(
        pl.kernel,
        out_type=jax.ShapeDtypeStruct((NC, n_out, D), jnp.float32),
        mesh=mesh,
        scratch_types=[
            pltpu.VMEM((_CH,), jnp.int32),
            pltpu.VMEM((_CH, D), jnp.float32),
            pltpu.VMEM_SHARED((n_out, D), jnp.float32),
            pltpu.SemaphoreType.DMA,
        ],
    )
    def k(efeat_hbm, dst_hbm, out_hbm, didx, rows, agg_sh, sem):
        cid = lax.axis_index("c")
        sid = lax.axis_index("s")
        wid = sid * NC + cid

        @pl.loop(0, _CH)
        def _(i):
            for j in range(D // 16):
                rows[i, pl.ds(j * 16, 16)] = jnp.zeros((16,), jnp.float32)

        @pl.loop(0, max_r)
        def _(t):
            r = sid + NS * t

            @pl.when(r < n_full)
            def _():
                pltpu.sync_copy(rows, agg_sh.at[pl.ds(r * _CH, _CH)])

        if n_tail:
            @pl.when(sid == NS - 1)
            def _():
                pltpu.sync_copy(rows.at[pl.ds(0, n_tail)],
                                agg_sh.at[pl.ds(n_full * _CH, n_tail)])

        plsc.subcore_barrier()

        @pl.loop(0, max_t)
        def _(t):
            c = wid + NW * t

            @pl.when(c < n_chunks)
            def _():
                off = c * _CH
                pltpu.sync_copy(dst_hbm.at[pl.ds(off, _CH)], didx)
                pltpu.sync_copy(efeat_hbm.at[pl.ds(off, _CH)], rows)
                pltpu.sync_copy(rows, agg_sh.at[didx], add=True)

        plsc.subcore_barrier()

        @pl.loop(0, max_r)
        def _(t):
            r = sid + NS * t

            @pl.when(r < n_full)
            def _():
                pltpu.sync_copy(agg_sh.at[pl.ds(r * _CH, _CH)],
                                out_hbm.at[cid, pl.ds(r * _CH, _CH)])

        if n_tail:
            @pl.when(sid == NS - 1)
            def _():
                pltpu.sync_copy(agg_sh.at[pl.ds(n_full * _CH, n_tail)],
                                out_hbm.at[cid, pl.ds(n_full * _CH, n_tail)])

    return k(efeat, dst)


def _edge_mlp_body(m2g, ms, gd, w1a, w1b, w1c, b1, w2, b2, g, b, out):
    x = (jnp.dot(m2g[...], w1a[...], preferred_element_type=jnp.float32)
         + jnp.dot(ms[...], w1b[...], preferred_element_type=jnp.float32)
         + jnp.dot(gd[...], w1c[...], preferred_element_type=jnp.float32)
         + b1[...])
    h = x * jax.nn.sigmoid(x)
    e = jnp.dot(h, w2[...], preferred_element_type=jnp.float32) + b2[...]
    mu = jnp.mean(e, axis=-1, keepdims=True)
    var = jnp.mean(jnp.square(e - mu), axis=-1, keepdims=True)
    out[...] = (e - mu) * lax.rsqrt(var + _EPS) * g[...] + b[...]


def _edge_mlp(m2g, msrc, gdst, w1a, w1b, w1c, b1, w2, b2, g, b, tile):
    E, D = m2g.shape
    H = w1a.shape[1]
    grid = (E // tile,)
    row = lambda i: (i, 0)
    fix = lambda i: (0, 0)
    return pl.pallas_call(
        _edge_mlp_body,
        grid=grid,
        in_specs=[
            pl.BlockSpec((tile, D), row),
            pl.BlockSpec((tile, D), row),
            pl.BlockSpec((tile, D), row),
            pl.BlockSpec((D, H), fix),
            pl.BlockSpec((D, H), fix),
            pl.BlockSpec((D, H), fix),
            pl.BlockSpec((1, H), fix),
            pl.BlockSpec((H, D), fix),
            pl.BlockSpec((1, D), fix),
            pl.BlockSpec((1, D), fix),
            pl.BlockSpec((1, D), fix),
        ],
        out_specs=pl.BlockSpec((tile, D), row),
        out_shape=jax.ShapeDtypeStruct((E, D), jnp.float32),
    )(m2g, msrc, gdst, w1a, w1b, w1c, b1, w2, b2, g, b)


def _node_mlp_body(aggp, grid, w1a, w1b, b1, w2, b2, g, b, out):
    a = aggp[...]
    agg = a[0] + a[1]
    gn = grid[...]
    x = (jnp.dot(agg, w1a[...], preferred_element_type=jnp.float32)
         + jnp.dot(gn, w1b[...], preferred_element_type=jnp.float32)
         + b1[...])
    h = x * jax.nn.sigmoid(x)
    e = jnp.dot(h, w2[...], preferred_element_type=jnp.float32) + b2[...]
    mu = jnp.mean(e, axis=-1, keepdims=True)
    var = jnp.mean(jnp.square(e - mu), axis=-1, keepdims=True)
    out[...] = (e - mu) * lax.rsqrt(var + _EPS) * g[...] + b[...] + gn


def _node_mlp(aggp, grid_nfeat, w1a, w1b, b1, w2, b2, g, b, tile):
    NC, N, D = aggp.shape
    H = w1a.shape[1]
    grid = (N // tile,)
    fix = lambda i: (0, 0)
    return pl.pallas_call(
        _node_mlp_body,
        grid=grid,
        in_specs=[
            pl.BlockSpec((NC, tile, D), lambda i: (0, i, 0)),
            pl.BlockSpec((tile, D), lambda i: (i, 0)),
            pl.BlockSpec((D, H), fix),
            pl.BlockSpec((D, H), fix),
            pl.BlockSpec((1, H), fix),
            pl.BlockSpec((H, D), fix),
            pl.BlockSpec((1, D), fix),
            pl.BlockSpec((1, D), fix),
            pl.BlockSpec((1, D), fix),
        ],
        out_specs=pl.BlockSpec((tile, D), lambda i: (i, 0)),
        out_shape=jax.ShapeDtypeStruct((N, D), jnp.float32),
    )(aggp, grid_nfeat, w1a, w1b, b1, w2, b2, g, b)


def kernel(m2g_efeat, grid_nfeat, mesh_nfeat, edge_index,
           e_W1, e_b1, e_W2, e_b2, e_gamma, e_beta,
           n_W1, n_b1, n_W2, n_b2, n_gamma, n_beta):
    D = m2g_efeat.shape[1]
    n_dst = grid_nfeat.shape[0]
    src = edge_index[0].astype(jnp.int32)
    dst = edge_index[1].astype(jnp.int32)

    msrc, gdst = _sc_gather(mesh_nfeat, grid_nfeat, src, dst)

    efeat = _edge_mlp(
        m2g_efeat, msrc, gdst,
        e_W1[:D], e_W1[D:2 * D], e_W1[2 * D:],
        e_b1.reshape(1, -1), e_W2, e_b2.reshape(1, -1),
        e_gamma.reshape(1, -1), e_beta.reshape(1, -1), tile=2000)

    aggp = _sc_scatter(efeat, dst, n_dst)

    return _node_mlp(
        aggp, grid_nfeat,
        n_W1[:D], n_W1[D:],
        n_b1.reshape(1, -1), n_W2, n_b2.reshape(1, -1),
        n_gamma.reshape(1, -1), n_beta.reshape(1, -1), tile=1000)

# --- scband reference (transcript-rebuilt; emitter-appended) ---
"""Pipeline reference for scband-mesh-graph-decoder-81535659148050 (READ-ONLY COPY).

The authoritative reference and input builder live on the scoring server;
editing this copy changes nothing except your own understanding.
"""

import jax, jax.numpy as jnp
import numpy as np

N_SRC = 10000
N_DST = 10000
E = 320000
D = 128
H = 128


def layer_norm(x, g, b, eps=1e-5):
    mu = jnp.mean(x, axis=-1, keepdims=True)
    var = jnp.var(x, axis=-1, keepdims=True)
    return (x - mu) / jnp.sqrt(var + eps) * g + b


def setup_inputs(seed: int = 0) -> dict:
    key = jax.random.key(seed)
    ks = jax.random.split(key, 16)
    m2g_efeat = jax.random.normal(ks[0], (E, D), dtype=jnp.float32)
    grid_nfeat = jax.random.normal(ks[1], (N_DST, D), dtype=jnp.float32)
    mesh_nfeat = jax.random.normal(ks[2], (N_SRC, D), dtype=jnp.float32)
    src = jax.random.randint(ks[3], (E,), 0, N_SRC)
    dst = jax.random.randint(ks[4], (E,), 0, N_DST)
    edge_index = jnp.stack([src, dst], axis=0)
    s = 0.02
    # edge MLP: Linear(3D -> H), SiLU, Linear(H -> D), LayerNorm(D)
    e_W1 = jax.random.normal(ks[5], (3 * D, H), dtype=jnp.float32) * s
    e_b1 = jnp.zeros((H,), dtype=jnp.float32)
    e_W2 = jax.random.normal(ks[6], (H, D), dtype=jnp.float32) * s
    e_b2 = jnp.zeros((D,), dtype=jnp.float32)
    e_gamma = jnp.ones((D,), dtype=jnp.float32)
    e_beta = jnp.zeros((D,), dtype=jnp.float32)
    # node MLP: Linear(2D -> H), SiLU, Linear(H -> D), LayerNorm(D)
    n_W1 = jax.random.normal(ks[7], (2 * D, H), dtype=jnp.float32) * s
    n_b1 = jnp.zeros((H,), dtype=jnp.float32)
    n_W2 = jax.random.normal(ks[8], (H, D), dtype=jnp.float32) * s
    n_b2 = jnp.zeros((D,), dtype=jnp.float32)
    n_gamma = jnp.ones((D,), dtype=jnp.float32)
    n_beta = jnp.zeros((D,), dtype=jnp.float32)
    return {
        "m2g_efeat": m2g_efeat,
        "grid_nfeat": grid_nfeat,
        "mesh_nfeat": mesh_nfeat,
        "edge_index": edge_index,
        "e_W1": e_W1, "e_b1": e_b1, "e_W2": e_W2, "e_b2": e_b2,
        "e_gamma": e_gamma, "e_beta": e_beta,
        "n_W1": n_W1, "n_b1": n_b1, "n_W2": n_W2, "n_b2": n_b2,
        "n_gamma": n_gamma, "n_beta": n_beta,
    }


def reference(m2g_efeat, grid_nfeat, mesh_nfeat, edge_index,
              e_W1, e_b1, e_W2, e_b2, e_gamma, e_beta,
              n_W1, n_b1, n_W2, n_b2, n_gamma, n_beta):
    src = edge_index[0]
    dst = edge_index[1]
    # edge MLP (concat variant): concat(efeat, src_feat gathered, dst_feat gathered)
    cat_e = jnp.concatenate(
        [m2g_efeat, jnp.take(mesh_nfeat, src, axis=0), jnp.take(grid_nfeat, dst, axis=0)],
        axis=-1)
    h = jax.nn.silu(cat_e @ e_W1 + e_b1)
    efeat = layer_norm(h @ e_W2 + e_b2, e_gamma, e_beta)
    # aggregate (scatter-sum by dst) and concat with dst node features
    agg = jax.ops.segment_sum(efeat, dst, num_segments=N_DST)
    cat_n = jnp.concatenate([agg, grid_nfeat], axis=-1)
    # node MLP + residual
    h2 = jax.nn.silu(cat_n @ n_W1 + n_b1)
    dst_feat = layer_norm(h2 @ n_W2 + n_b2, n_gamma, n_beta) + grid_nfeat
    return dst_feat

if __name__ == "__main__":
    import jax
    _d = setup_inputs()
    print(jax.jit(kernel)(*tuple(_d.values())))

</pallas_src>

<mosaic_0001>
#map = affine_map<(d0, d1) -> (0, 0)>
#map1 = affine_map<(d0, d1) -> (0)>
module attributes {stable_mosaic.version = 14 : i64} {
  func.func @k(%arg0: i32, %arg1: i32, %arg2: memref<10000x128xf32, #tpu.memory_space<hbm>>, %arg3: memref<10000x128xf32, #tpu.memory_space<hbm>>, %arg4: memref<320000xi32, #tpu.memory_space<hbm>>, %arg5: memref<320000xi32, #tpu.memory_space<hbm>>, %arg6: memref<320000x128xf32, #tpu.memory_space<hbm>>, %arg7: memref<320000x128xf32, #tpu.memory_space<hbm>>, %arg8: memref<128xi32, #tpu.memory_space<vmem>>, %arg9: memref<128xi32, #tpu.memory_space<vmem>>, %arg10: memref<128x128xf32, #tpu.memory_space<vmem>>, %arg11: memref<128x128xf32, #tpu.memory_space<vmem>>, %arg12: memref<!tpu.dma_semaphore, #tpu.memory_space<semaphore_mem>>, %arg13: memref<!tpu.dma_semaphore, #tpu.memory_space<semaphore_mem>>) attributes {dimension_semantics = [#tpu.dimension_semantics<core_parallel>, #tpu.dimension_semantics<subcore_parallel>], iteration_bounds = array<i64: 2, 16>, scalar_prefetch = 0 : i64, scratch_operands = 6 : i64, tpu.core_type = #tpu.core_type<sc_vector_subcore>, window_params = [{transform_indices = #map}, {transform_indices = #map}, {transform_indices = #map1}, {transform_indices = #map1}, {transform_indices = #map}, {transform_indices = #map}]} {
    %mul3A = arith.constant 2 : i32
    %mul3A_0 = arith.muli %arg1, %mul3A : i32
    %add3A = arith.addi %mul3A_0, %arg0 : i32
    %scan3A = arith.constant 0 : i32
    %scan3A_1 = arith.constant 79 : i32
    %scan3A_2 = arith.addi %scan3A, %scan3A_1 : i32
    %scan3A_3 = arith.constant 1 : i32
    scf.for %scan3A_5 = %scan3A to %scan3A_2 step %scan3A_3  : i32 {
      %mul3A_6 = arith.constant 1 : i32
      %mul3A_7 = arith.muli %scan3A_5, %mul3A_6 : i32
      %add3A_8 = arith.constant 0 : i32
      %add3A_9 = arith.addi %add3A_8, %mul3A_7 : i32
      %mul3A_10 = arith.constant 32 : i32
      %mul3A_11 = arith.muli %mul3A_10, %add3A_9 : i32
      %add3A_12 = arith.addi %add3A, %mul3A_11 : i32
      %lt3A = arith.constant 2500 : i32
      %lt3A_13 = arith.cmpi slt, %add3A_12, %lt3A : i32
      %convert_element_type3A = arith.extui %lt3A_13 : i1 to i32
      %cond3A = arith.constant 0 : i32
      %cond3A_14 = arith.cmpi ne, %convert_element_type3A, %cond3A : i32
      scf.if %cond3A_14 {
        %mul3A_15 = arith.constant 128 : i32
        %mul3A_16 = arith.muli %add3A_12, %mul3A_15 : i32
        "tpu.region"() ({
          %run_scoped3A = tpu.sem_alloc : memref<!tpu.dma_semaphore, #tpu.memory_space<semaphore_mem>>
          %dma_start3A_27 = tpu.memref_slice %arg4[%mul3A_16] : memref<320000xi32, #tpu.memory_space<hbm>> -> memref<128xi32, #tpu.memory_space<hbm>>
          %dma_start3A_28 = tpu.memref_slice %arg4[%mul3A_16] : memref<320000xi32, #tpu.memory_space<hbm>> -> memref<128xi32, #tpu.memory_space<hbm>>
          tpu.enqueue_dma source(%dma_start3A_28 : memref<128xi32, #tpu.memory_space<hbm>>) target(%arg8 : memref<128xi32, #tpu.memory_space<vmem>>) target_semaphore(%run_scoped3A : memref<!tpu.dma_semaphore, #tpu.memory_space<semaphore_mem>>)
          %dma_wait3A_29 = tpu.memref_slice %arg4[%mul3A_16] : memref<320000xi32, #tpu.memory_space<hbm>> -> memref<128xi32, #tpu.memory_space<hbm>>
          %dma_wait3A_30 = tpu.memref_slice %arg4[%mul3A_16] : memref<320000xi32, #tpu.memory_space<hbm>> -> memref<128xi32, #tpu.memory_space<hbm>>
          tpu.wait_dma2 semaphore(%run_scoped3A : memref<!tpu.dma_semaphore, #tpu.memory_space<semaphore_mem>>) src(%dma_wait3A_30 : memref<128xi32, #tpu.memory_space<hbm>>) dst(%arg8 : memref<128xi32, #tpu.memory_space<vmem>>)
          tpu.yield
        }) : () -> ()
        "tpu.region"() ({
          %run_scoped3A = tpu.sem_alloc : memref<!tpu.dma_semaphore, #tpu.memory_space<semaphore_mem>>
          %dma_start3A_27 = tpu.memref_slice %arg5[%mul3A_16] : memref<320000xi32, #tpu.memory_space<hbm>> -> memref<128xi32, #tpu.memory_space<hbm>>
          %dma_start3A_28 = tpu.memref_slice %arg5[%mul3A_16] : memref<320000xi32, #tpu.memory_space<hbm>> -> memref<128xi32, #tpu.memory_space<hbm>>
          tpu.enqueue_dma source(%dma_start3A_28 : memref<128xi32, #tpu.memory_space<hbm>>) target(%arg9 : memref<128xi32, #tpu.memory_space<vmem>>) target_semaphore(%run_scoped3A : memref<!tpu.dma_semaphore, #tpu.memory_space<semaphore_mem>>)
          %dma_wait3A_29 = tpu.memref_slice %arg5[%mul3A_16] : memref<320000xi32, #tpu.memory_space<hbm>> -> memref<128xi32, #tpu.memory_space<hbm>>
          %dma_wait3A_30 = tpu.memref_slice %arg5[%mul3A_16] : memref<320000xi32, #tpu.memory_space<hbm>> -> memref<128xi32, #tpu.memory_space<hbm>>
          tpu.wait_dma2 semaphore(%run_scoped3A : memref<!tpu.dma_semaphore, #tpu.memory_space<semaphore_mem>>) src(%dma_wait3A_30 : memref<128xi32, #tpu.memory_space<hbm>>) dst(%arg9 : memref<128xi32, #tpu.memory_space<vmem>>)
          tpu.yield
        }) : () -> ()
        %dma_start3A = arith.constant 0 : i32
        %dma_start3A_17 = arith.constant 0 : i32
        %dma_start3A_18 = tpu.memref_slice %arg2[%dma_start3A, %dma_start3A_17] : memref<10000x128xf32, #tpu.memory_space<hbm>> -> memref<10000x128xf32, #tpu.memory_space<hbm>>
        tpu.enqueue_indirect_dma source(%dma_start3A_18 : memref<10000x128xf32, #tpu.memory_space<hbm>>) target(%arg10 : memref<128x128xf32, #tpu.memory_space<vmem>>) offsets(%arg8 : memref<128xi32, #tpu.memory_space<vmem>>) semaphore(%arg12 : memref<!tpu.dma_semaphore, #tpu.memory_space<semaphore_mem>>)
        %dma_start3A_19 = arith.constant 0 : i32
        %dma_start3A_20 = arith.constant 0 : i32
        %dma_start3A_21 = tpu.memref_slice %arg3[%dma_start3A_19, %dma_start3A_20] : memref<10000x128xf32, #tpu.memory_space<hbm>> -> memref<10000x128xf32, #tpu.memory_space<hbm>>
        tpu.enqueue_indirect_dma source(%dma_start3A_21 : memref<10000x128xf32, #tpu.memory_space<hbm>>) target(%arg11 : memref<128x128xf32, #tpu.memory_space<vmem>>) offsets(%arg9 : memref<128xi32, #tpu.memory_space<vmem>>) semaphore(%arg13 : memref<!tpu.dma_semaphore, #tpu.memory_space<semaphore_mem>>)
        %dma_wait3A = arith.constant 0 : i32
        %dma_wait3A_22 = arith.constant 0 : i32
        %dma_wait3A_23 = tpu.memref_slice %arg2[%dma_wait3A, %dma_wait3A_22] : memref<10000x128xf32, #tpu.memory_space<hbm>> -> memref<10000x128xf32, #tpu.memory_space<hbm>>
        tpu.wait_indirect_dma semaphore(%arg12 : memref<!tpu.dma_semaphore, #tpu.memory_space<semaphore_mem>>) src(%dma_wait3A_23 : memref<10000x128xf32, #tpu.memory_space<hbm>>) dst(%arg10 : memref<128x128xf32, #tpu.memory_space<vmem>>)
        "tpu.region"() ({
          %run_scoped3A = tpu.sem_alloc : memref<!tpu.dma_semaphore, #tpu.memory_space<semaphore_mem>>
          %dma_start3A_27 = arith.constant 0 : i32
          %dma_start3A_28 = tpu.memref_slice %arg6[%mul3A_16, %dma_start3A_27] : memref<320000x128xf32, #tpu.memory_space<hbm>> -> memref<128x128xf32, #tpu.memory_space<hbm>>
          %dma_start3A_29 = arith.constant 0 : i32
          %dma_start3A_30 = tpu.memref_slice %arg6[%mul3A_16, %dma_start3A_29] : memref<320000x128xf32, #tpu.memory_space<hbm>> -> memref<128x128xf32, #tpu.memory_space<hbm>>
          tpu.enqueue_dma source(%arg10 : memref<128x128xf32, #tpu.memory_space<vmem>>) target(%dma_start3A_30 : memref<128x128xf32, #tpu.memory_space<hbm>>) target_semaphore(%run_scoped3A : memref<!tpu.dma_semaphore, #tpu.memory_space<semaphore_mem>>)
          %dma_wait3A_31 = arith.constant 0 : i32
          %dma_wait3A_32 = tpu.memref_slice %arg6[%mul3A_16, %dma_wait3A_31] : memref<320000x128xf32, #tpu.memory_space<hbm>> -> memref<128x128xf32, #tpu.memory_space<hbm>>
          %dma_wait3A_33 = arith.constant 0 : i32
          %dma_wait3A_34 = tpu.memref_slice %arg6[%mul3A_16, %dma_wait3A_33] : memref<320000x128xf32, #tpu.memory_space<hbm>> -> memref<128x128xf32, #tpu.memory_space<hbm>>
          tpu.wait_dma2 semaphore(%run_scoped3A : memref<!tpu.dma_semaphore, #tpu.memory_space<semaphore_mem>>) src(%arg10 : memref<128x128xf32, #tpu.memory_space<vmem>>) dst(%dma_wait3A_34 : memref<128x128xf32, #tpu.memory_space<hbm>>)
          tpu.yield
        }) : () -> ()
        %dma_wait3A_24 = arith.constant 0 : i32
        %dma_wait3A_25 = arith.constant 0 : i32
        %dma_wait3A_26 = tpu.memref_slice %arg3[%dma_wait3A_24, %dma_wait3A_25] : memref<10000x128xf32, #tpu.memory_space<hbm>> -> memref<10000x128xf32, #tpu.memory_space<hbm>>
        tpu.wait_indirect_dma semaphore(%arg13 : memref<!tpu.dma_semaphore, #tpu.memory_space<semaphore_mem>>) src(%dma_wait3A_26 : memref<10000x128xf32, #tpu.memory_space<hbm>>) dst(%arg11 : memref<128x128xf32, #tpu.memory_space<vmem>>)
        "tpu.region"() ({
          %run_scoped3A = tpu.sem_alloc : memref<!tpu.dma_semaphore, #tpu.memory_space<semaphore_mem>>
          %dma_start3A_27 = arith.constant 0 : i32
          %dma_start3A_28 = tpu.memref_slice %arg7[%mul3A_16, %dma_start3A_27] : memref<320000x128xf32, #tpu.memory_space<hbm>> -> memref<128x128xf32, #tpu.memory_space<hbm>>
          %dma_start3A_29 = arith.constant 0 : i32
          %dma_start3A_30 = tpu.memref_slice %arg7[%mul3A_16, %dma_start3A_29] : memref<320000x128xf32, #tpu.memory_space<hbm>> -> memref<128x128xf32, #tpu.memory_space<hbm>>
          tpu.enqueue_dma source(%arg11 : memref<128x128xf32, #tpu.memory_space<vmem>>) target(%dma_start3A_30 : memref<128x128xf32, #tpu.memory_space<hbm>>) target_semaphore(%run_scoped3A : memref<!tpu.dma_semaphore, #tpu.memory_space<semaphore_mem>>)
          %dma_wait3A_31 = arith.constant 0 : i32
          %dma_wait3A_32 = tpu.memref_slice %arg7[%mul3A_16, %dma_wait3A_31] : memref<320000x128xf32, #tpu.memory_space<hbm>> -> memref<128x128xf32, #tpu.memory_space<hbm>>
          %dma_wait3A_33 = arith.constant 0 : i32
          %dma_wait3A_34 = tpu.memref_slice %arg7[%mul3A_16, %dma_wait3A_33] : memref<320000x128xf32, #tpu.memory_space<hbm>> -> memref<128x128xf32, #tpu.memory_space<hbm>>
          tpu.wait_dma2 semaphore(%run_scoped3A : memref<!tpu.dma_semaphore, #tpu.memory_space<semaphore_mem>>) src(%arg11 : memref<128x128xf32, #tpu.memory_space<vmem>>) dst(%dma_wait3A_34 : memref<128x128xf32, #tpu.memory_space<hbm>>)
          tpu.yield
        }) : () -> ()
      } else {
      }
    }
    %scan3A_4 = arith.constant 79 : i32
    return
  }
}

#map = affine_map<(d0, d1) -> (0, 0)>
#map1 = affine_map<(d0, d1) -> (0)>
#map2 = affine_map<(d0, d1) -> (0, 0, 0)>
module attributes {stable_mosaic.version = 14 : i64} {
  func.func @k(%arg0: i32, %arg1: i32, %arg2: memref<320000x128xf32, #tpu.memory_space<hbm>>, %arg3: memref<320000xi32, #tpu.memory_space<hbm>>, %arg4: memref<2x10000x128xf32, #tpu.memory_space<hbm>>, %arg5: memref<128xi32, #tpu.memory_space<vmem>>, %arg6: memref<128x128xf32, #tpu.memory_space<vmem>>, %arg7: memref<10000x128xf32, #tpu.memory_space<vmem_shared>>, %arg8: memref<!tpu.dma_semaphore, #tpu.memory_space<semaphore_mem>>) attributes {dimension_semantics = [#tpu.dimension_semantics<core_parallel>, #tpu.dimension_semantics<subcore_parallel>], iteration_bounds = array<i64: 2, 16>, scalar_prefetch = 0 : i64, scratch_operands = 4 : i64, tpu.core_type = #tpu.core_type<sc_vector_subcore>, window_params = [{transform_indices = #map}, {transform_indices = #map1}, {transform_indices = #map2}]} {
    %mul3A = arith.constant 2 : i32
    %mul3A_0 = arith.muli %arg1, %mul3A : i32
    %add3A = arith.addi %mul3A_0, %arg0 : i32
    %scan3A = arith.constant 0 : i32
    %scan3A_1 = arith.constant 128 : i32
    %scan3A_2 = arith.addi %scan3A, %scan3A_1 : i32
    %scan3A_3 = arith.constant 1 : i32
    scf.for %scan3A_28 = %scan3A to %scan3A_2 step %scan3A_3  : i32 {
      %mul3A_29 = arith.constant 1 : i32
      %mul3A_30 = arith.muli %scan3A_28, %mul3A_29 : i32
      %add3A_31 = arith.constant 0 : i32
      %add3A_32 = arith.addi %add3A_31, %mul3A_30 : i32
      %broadcast_in_dim3A = arith.constant 0.000000e+00 : f32
      %broadcast_in_dim3A_33 = vector.broadcast %broadcast_in_dim3A : f32 to vector<16xf32>
      %swap3A = arith.index_cast %add3A_32 : i32 to index
      %swap3A_34 = arith.constant 0 : index
      %swap3A_35 = tpu.vector_load %arg6[%swap3A, %swap3A_34] {strides = array<i32>} : memref<128x128xf32, #tpu.memory_space<vmem>>, vector<1x16xf32>,
      %swap3A_36 = vector.shape_cast %swap3A_35 : vector<1x16xf32> to vector<16xf32>
      %swap3A_37 = vector.shape_cast %broadcast_in_dim3A_33 : vector<16xf32> to vector<1x16xf32>
      tpu.vector_store %arg6[%swap3A, %swap3A_34], %swap3A_37 {strides = array<i32>} : memref<128x128xf32, #tpu.memory_space<vmem>>, vector<1x16xf32>,
      %broadcast_in_dim3A_38 = arith.constant 0.000000e+00 : f32
      %broadcast_in_dim3A_39 = vector.broadcast %broadcast_in_dim3A_38 : f32 to vector<16xf32>
      %swap3A_40 = arith.index_cast %add3A_32 : i32 to index
      %swap3A_41 = arith.constant 16 : index
      %swap3A_42 = tpu.vector_load %arg6[%swap3A_40, %swap3A_41] {strides = array<i32>} : memref<128x128xf32, #tpu.memory_space<vmem>>, vector<1x16xf32>,
      %swap3A_43 = vector.shape_cast %swap3A_42 : vector<1x16xf32> to vector<16xf32>
      %swap3A_44 = vector.shape_cast %broadcast_in_dim3A_39 : vector<16xf32> to vector<1x16xf32>
      tpu.vector_store %arg6[%swap3A_40, %swap3A_41], %swap3A_44 {strides = array<i32>} : memref<128x128xf32, #tpu.memory_space<vmem>>, vector<1x16xf32>,
      %broadcast_in_dim3A_45 = arith.constant 0.000000e+00 : f32
      %broadcast_in_dim3A_46 = vector.broadcast %broadcast_in_dim3A_45 : f32 to vector<16xf32>
      %swap3A_47 = arith.index_cast %add3A_32 : i32 to index
      %swap3A_48 = arith.constant 32 : index
      %swap3A_49 = tpu.vector_load %arg6[%swap3A_47, %swap3A_48] {strides = array<i32>} : memref<128x128xf32, #tpu.memory_space<vmem>>, vector<1x16xf32>,
      %swap3A_50 = vector.shape_cast %swap3A_49 : vector<1x16xf32> to vector<16xf32>
      %swap3A_51 = vector.shape_cast %broadcast_in_dim3A_46 : vector<16xf32> to vector<1x16xf32>
      tpu.vector_store %arg6[%swap3A_47, %swap3A_48], %swap3A_51 {strides = array<i32>} : memref<128x128xf32, #tpu.memory_space<vmem>>, vector<1x16xf32>,
      %broadcast_in_dim3A_52 = arith.constant 0.000000e+00 : f32
      %broadcast_in_dim3A_53 = vector.broadcast %broadcast_in_dim3A_52 : f32 to vector<16xf32>
      %swap3A_54 = arith.index_cast %add3A_32 : i32 to index
      %swap3A_55 = arith.constant 48 : index
      %swap3A_56 = tpu.vector_load %arg6[%swap3A_54, %swap3A_55] {strides = array<i32>} : memref<128x128xf32, #tpu.memory_space<vmem>>, vector<1x16xf32>,
      %swap3A_57 = vector.shape_cast %swap3A_56 : vector<1x16xf32> to vector<16xf32>
      %swap3A_58 = vector.shape_cast %broadcast_in_dim3A_53 : vector<16xf32> to vector<1x16xf32>
      tpu.vector_store %arg6[%swap3A_54, %swap3A_55], %swap3A_58 {strides = array<i32>} : memref<128x128xf32, #tpu.memory_space<vmem>>, vector<1x16xf32>,
      %broadcast_in_dim3A_59 = arith.constant 0.000000e+00 : f32
      %broadcast_in_dim3A_60 = vector.broadcast %broadcast_in_dim3A_59 : f32 to vector<16xf32>
      %swap3A_61 = arith.index_cast %add3A_32 : i32 to index
      %swap3A_62 = arith.constant 64 : index
      %swap3A_63 = tpu.vector_load %arg6[%swap3A_61, %swap3A_62] {strides = array<i32>} : memref<128x128xf32, #tpu.memory_space<vmem>>, vector<1x16xf32>,
      %swap3A_64 = vector.shape_cast %swap3A_63 : vector<1x16xf32> to vector<16xf32>
      %swap3A_65 = vector.shape_cast %broadcast_in_dim3A_60 : vector<16xf32> to vector<1x16xf32>
      tpu.vector_store %arg6[%swap3A_61, %swap3A_62], %swap3A_65 {strides = array<i32>} : memref<128x128xf32, #tpu.memory_space<vmem>>, vector<1x16xf32>,
      %broadcast_in_dim3A_66 = arith.constant 0.000000e+00 : f32
      %broadcast_in_dim3A_67 = vector.broadcast %broadcast_in_dim3A_66 : f32 to vector<16xf32>
      %swap3A_68 = arith.index_cast %add3A_32 : i32 to index
      %swap3A_69 = arith.constant 80 : index
      %swap3A_70 = tpu.vector_load %arg6[%swap3A_68, %swap3A_69] {strides = array<i32>} : memref<128x128xf32, #tpu.memory_space<vmem>>, vector<1x16xf32>,
      %swap3A_71 = vector.shape_cast %swap3A_70 : vector<1x16xf32> to vector<16xf32>
      %swap3A_72 = vector.shape_cast %broadcast_in_dim3A_67 : vector<16xf32> to vector<1x16xf32>
      tpu.vector_store %arg6[%swap3A_68, %swap3A_69], %swap3A_72 {strides = array<i32>} : memref<128x128xf32, #tpu.memory_space<vmem>>, vector<1x16xf32>,
      %broadcast_in_dim3A_73 = arith.constant 0.000000e+00 : f32
      %broadcast_in_dim3A_74 = vector.broadcast %broadcast_in_dim3A_73 : f32 to vector<16xf32>
      %swap3A_75 = arith.index_cast %add3A_32 : i32 to index
      %swap3A_76 = arith.constant 96 : index
      %swap3A_77 = tpu.vector_load %arg6[%swap3A_75, %swap3A_76] {strides = array<i32>} : memref<128x128xf32, #tpu.memory_space<vmem>>, vector<1x16xf32>,
      %swap3A_78 = vector.shape_cast %swap3A_77 : vector<1x16xf32> to vector<16xf32>
      %swap3A_79 = vector.shape_cast %broadcast_in_dim3A_74 : vector<16xf32> to vector<1x16xf32>
      tpu.vector_store %arg6[%swap3A_75, %swap3A_76], %swap3A_79 {strides = array<i32>} : memref<128x128xf32, #tpu.memory_space<vmem>>, vector<1x16xf32>,
      %broadcast_in_dim3A_80 = arith.constant 0.000000e+00 : f32
      %broadcast_in_dim3A_81 = vector.broadcast %broadcast_in_dim3A_80 : f32 to vector<16xf32>
      %swap3A_82 = arith.index_cast %add3A_32 : i32 to index
      %swap3A_83 = arith.constant 112 : index
      %swap3A_84 = tpu.vector_load %arg6[%swap3A_82, %swap3A_83] {strides = array<i32>} : memref<128x128xf32, #tpu.memory_space<vmem>>, vector<1x16xf32>,
      %swap3A_85 = vector.shape_cast %swap3A_84 : vector<1x16xf32> to vector<16xf32>
      %swap3A_86 = vector.shape_cast %broadcast_in_dim3A_81 : vector<16xf32> to vector<1x16xf32>
      tpu.vector_store %arg6[%swap3A_82, %swap3A_83], %swap3A_86 {strides = array<i32>} : memref<128x128xf32, #tpu.memory_space<vmem>>, vector<1x16xf32>,
    }
    %scan3A_4 = arith.constant 128 : i32
    %scan3A_5 = arith.constant 0 : i32
    %scan3A_6 = arith.constant 5 : i32
    %scan3A_7 = arith.addi %scan3A_5, %scan3A_6 : i32
    %scan3A_8 = arith.constant 1 : i32
    scf.for %scan3A_28 = %scan3A_5 to %scan3A_7 step %scan3A_8  : i32 {
      %mul3A_29 = arith.constant 1 : i32
      %mul3A_30 = arith.muli %scan3A_28, %mul3A_29 : i32
      %add3A_31 = arith.constant 0 : i32
      %add3A_32 = arith.addi %add3A_31, %mul3A_30 : i32
      %mul3A_33 = arith.constant 16 : i32
      %mul3A_34 = arith.muli %mul3A_33, %add3A_32 : i32
      %add3A_35 = arith.addi %arg1, %mul3A_34 : i32
      %lt3A = arith.constant 78 : i32
      %lt3A_36 = arith.cmpi slt, %add3A_35, %lt3A : i32
      %convert_element_type3A_37 = arith.extui %lt3A_36 : i1 to i32
      %cond3A_38 = arith.constant 0 : i32
      %cond3A_39 = arith.cmpi ne, %convert_element_type3A_37, %cond3A_38 : i32
      scf.if %cond3A_39 {
        %mul3A_40 = arith.constant 128 : i32
        %mul3A_41 = arith.muli %add3A_35, %mul3A_40 : i32
        "tpu.region"() ({
          %run_scoped3A = tpu.sem_alloc : memref<!tpu.dma_semaphore, #tpu.memory_space<semaphore_mem>>
          %dma_start3A = arith.constant 0 : i32
          %dma_start3A_42 = tpu.memref_slice %arg7[%mul3A_41, %dma_start3A] : memref<10000x128xf32, #tpu.memory_space<vmem_shared>> -> memref<128x128xf32, #tpu.memory_space<vmem_shared>>
          %dma_start3A_43 = arith.constant 0 : i32
          %dma_start3A_44 = tpu.memref_slice %arg7[%mul3A_41, %dma_start3A_43] : memref<10000x128xf32, #tpu.memory_space<vmem_shared>> -> memref<128x128xf32, #tpu.memory_space<vmem_shared>>
          tpu.enqueue_dma source(%arg6 : memref<128x128xf32, #tpu.memory_space<vmem>>) target(%dma_start3A_44 : memref<128x128xf32, #tpu.memory_space<vmem_shared>>) target_semaphore(%run_scoped3A : memref<!tpu.dma_semaphore, #tpu.memory_space<semaphore_mem>>)
          %dma_wait3A = arith.constant 0 : i32
          %dma_wait3A_45 = tpu.memref_slice %arg7[%mul3A_41, %dma_wait3A] : memref<10000x128xf32, #tpu.memory_space<vmem_shared>> -> memref<128x128xf32, #tpu.memory_space<vmem_shared>>
          %dma_wait3A_46 = arith.constant 0 : i32
          %dma_wait3A_47 = tpu.memref_slice %arg7[%mul3A_41, %dma_wait3A_46] : memref<10000x128xf32, #tpu.memory_space<vmem_shared>> -> memref<128x128xf32, #tpu.memory_space<vmem_shared>>
          tpu.wait_dma2 semaphore(%run_scoped3A : memref<!tpu.dma_semaphore, #tpu.memory_space<semaphore_mem>>) src(%arg6 : memref<128x128xf32, #tpu.memory_space<vmem>>) dst(%dma_wait3A_47 : memref<128x128xf32, #tpu.memory_space<vmem_shared>>)
          tpu.yield
        }) : () -> ()
      } else {
      }
    }
    %scan3A_9 = arith.constant 5 : i32
    %eq3A = arith.constant 15 : i32
    %eq3A_10 = arith.cmpi eq, %arg1, %eq3A : i32
    %convert_element_type3A = arith.extui %eq3A_10 : i1 to i32
    %cond3A = arith.constant 0 : i32
    %cond3A_11 = arith.cmpi ne, %convert_element_type3A, %cond3A : i32
    scf.if %cond3A_11 {
      "tpu.region"() ({
        %run_scoped3A = tpu.sem_alloc : memref<!tpu.dma_semaphore, #tpu.memory_space<semaphore_mem>>
        %dma_start3A = arith.constant 0 : i32
        %dma_start3A_28 = arith.constant 0 : i32
        %dma_start3A_29 = tpu.memref_slice %arg6[%dma_start3A, %dma_start3A_28] : memref<128x128xf32, #tpu.memory_space<vmem>> -> memref<16x128xf32, #tpu.memory_space<vmem>>
        %dma_start3A_30 = arith.constant 9984 : i32
        %dma_start3A_31 = arith.constant 0 : i32
        %dma_start3A_32 = tpu.memref_slice %arg7[%dma_start3A_30, %dma_start3A_31] : memref<10000x128xf32, #tpu.memory_space<vmem_shared>> -> memref<16x128xf32, #tpu.memory_space<vmem_shared>>
        %dma_start3A_33 = arith.constant 9984 : i32
        %dma_start3A_34 = arith.constant 0 : i32
        %dma_start3A_35 = tpu.memref_slice %arg7[%dma_start3A_33, %dma_start3A_34] : memref<10000x128xf32, #tpu.memory_space<vmem_shared>> -> memref<16x128xf32, #tpu.memory_space<vmem_shared>>
        %dma_start3A_36 = arith.constant 0 : i32
        %dma_start3A_37 = arith.constant 0 : i32
        %dma_start3A_38 = tpu.memref_slice %arg6[%dma_start3A_36, %dma_start3A_37] : memref<128x128xf32, #tpu.memory_space<vmem>> -> memref<16x128xf32, #tpu.memory_space<vmem>>
        tpu.enqueue_dma source(%dma_start3A_38 : memref<16x128xf32, #tpu.memory_space<vmem>>) target(%dma_start3A_35 : memref<16x128xf32, #tpu.memory_space<vmem_shared>>) target_semaphore(%run_scoped3A : memref<!tpu.dma_semaphore, #tpu.memory_space<semaphore_mem>>)
        %dma_wait3A = arith.constant 0 : i32
        %dma_wait3A_39 = arith.constant 0 : i32
        %dma_wait3A_40 = tpu.memref_slice %arg6[%dma_wait3A, %dma_wait3A_39] : memref<128x128xf32, #tpu.memory_space<vmem>> -> memref<16x128xf32, #tpu.memory_space<vmem>>
        %dma_wait3A_41 = arith.constant 9984 : i32
        %dma_wait3A_42 = arith.constant 0 : i32
        %dma_wait3A_43 = tpu.memref_slice %arg7[%dma_wait3A_41, %dma_wait3A_42] : memref<10000x128xf32, #tpu.memory_space<vmem_shared>> -> memref<16x128xf32, #tpu.memory_space<vmem_shared>>
        %dma_wait3A_44 = arith.constant 9984 : i32
        %dma_wait3A_45 = arith.constant 0 : i32
        %dma_wait3A_46 = tpu.memref_slice %arg7[%dma_wait3A_44, %dma_wait3A_45] : memref<10000x128xf32, #tpu.memory_space<vmem_shared>> -> memref<16x128xf32, #tpu.memory_space<vmem_shared>>
        %dma_wait3A_47 = arith.constant 0 : i32
        %dma_wait3A_48 = arith.constant 0 : i32
        %dma_wait3A_49 = tpu.memref_slice %arg6[%dma_wait3A_47, %dma_wait3A_48] : memref<128x128xf32, #tpu.memory_space<vmem>> -> memref<16x128xf32, #tpu.memory_space<vmem>>
        tpu.wait_dma2 semaphore(%run_scoped3A : memref<!tpu.dma_semaphore, #tpu.memory_space<semaphore_mem>>) src(%dma_wait3A_49 : memref<16x128xf32, #tpu.memory_space<vmem>>) dst(%dma_wait3A_46 : memref<16x128xf32, #tpu.memory_space<vmem_shared>>)
        tpu.yield
      }) : () -> ()
    } else {
    }
    %barrier3A = arith.constant 0 : index
    tpu.barrier barrier_id(%barrier3A)
    %scan3A_12 = arith.constant 0 : i32
    %scan3A_13 = arith.constant 79 : i32
    %scan3A_14 = arith.addi %scan3A_12, %scan3A_13 : i32
    %scan3A_15 = arith.constant 1 : i32
    scf.for %scan3A_28 = %scan3A_12 to %scan3A_14 step %scan3A_15  : i32 {
      %mul3A_29 = arith.constant 1 : i32
      %mul3A_30 = arith.muli %scan3A_28, %mul3A_29 : i32
      %add3A_31 = arith.constant 0 : i32
      %add3A_32 = arith.addi %add3A_31, %mul3A_30 : i32
      %mul3A_33 = arith.constant 32 : i32
      %mul3A_34 = arith.muli %mul3A_33, %add3A_32 : i32
      %add3A_35 = arith.addi %add3A, %mul3A_34 : i32
      %lt3A = arith.constant 2500 : i32
      %lt3A_36 = arith.cmpi slt, %add3A_35, %lt3A : i32
      %convert_element_type3A_37 = arith.extui %lt3A_36 : i1 to i32
      %cond3A_38 = arith.constant 0 : i32
      %cond3A_39 = arith.cmpi ne, %convert_element_type3A_37, %cond3A_38 : i32
      scf.if %cond3A_39 {
        %mul3A_40 = arith.constant 128 : i32
        %mul3A_41 = arith.muli %add3A_35, %mul3A_40 : i32
        "tpu.region"() ({
          %run_scoped3A = tpu.sem_alloc : memref<!tpu.dma_semaphore, #tpu.memory_space<semaphore_mem>>
          %dma_start3A = tpu.memref_slice %arg3[%mul3A_41] : memref<320000xi32, #tpu.memory_space<hbm>> -> memref<128xi32, #tpu.memory_space<hbm>>
          %dma_start3A_42 = tpu.memref_slice %arg3[%mul3A_41] : memref<320000xi32, #tpu.memory_space<hbm>> -> memref<128xi32, #tpu.memory_space<hbm>>
          tpu.enqueue_dma source(%dma_start3A_42 : memref<128xi32, #tpu.memory_space<hbm>>) target(%arg5 : memref<128xi32, #tpu.memory_space<vmem>>) target_semaphore(%run_scoped3A : memref<!tpu.dma_semaphore, #tpu.memory_space<semaphore_mem>>)
          %dma_wait3A = tpu.memref_slice %arg3[%mul3A_41] : memref<320000xi32, #tpu.memory_space<hbm>> -> memref<128xi32, #tpu.memory_space<hbm>>
          %dma_wait3A_43 = tpu.memref_slice %arg3[%mul3A_41] : memref<320000xi32, #tpu.memory_space<hbm>> -> memref<128xi32, #tpu.memory_space<hbm>>
          tpu.wait_dma2 semaphore(%run_scoped3A : memref<!tpu.dma_semaphore, #tpu.memory_space<semaphore_mem>>) src(%dma_wait3A_43 : memref<128xi32, #tpu.memory_space<hbm>>) dst(%arg5 : memref<128xi32, #tpu.memory_space<vmem>>)
          tpu.yield
        }) : () -> ()
        "tpu.region"() ({
          %run_scoped3A = tpu.sem_alloc : memref<!tpu.dma_semaphore, #tpu.memory_space<semaphore_mem>>
          %dma_start3A = arith.constant 0 : i32
          %dma_start3A_42 = tpu.memref_slice %arg2[%mul3A_41, %dma_start3A] : memref<320000x128xf32, #tpu.memory_space<hbm>> -> memref<128x128xf32, #tpu.memory_space<hbm>>
          %dma_start3A_43 = arith.constant 0 : i32
          %dma_start3A_44 = tpu.memref_slice %arg2[%mul3A_41, %dma_start3A_43] : memref<320000x128xf32, #tpu.memory_space<hbm>> -> memref<128x128xf32, #tpu.memory_space<hbm>>
          tpu.enqueue_dma source(%dma_start3A_44 : memref<128x128xf32, #tpu.memory_space<hbm>>) target(%arg6 : memref<128x128xf32, #tpu.memory_space<vmem>>) target_semaphore(%run_scoped3A : memref<!tpu.dma_semaphore, #tpu.memory_space<semaphore_mem>>)
          %dma_wait3A = arith.constant 0 : i32
          %dma_wait3A_45 = tpu.memref_slice %arg2[%mul3A_41, %dma_wait3A] : memref<320000x128xf32, #tpu.memory_space<hbm>> -> memref<128x128xf32, #tpu.memory_space<hbm>>
          %dma_wait3A_46 = arith.constant 0 : i32
          %dma_wait3A_47 = tpu.memref_slice %arg2[%mul3A_41, %dma_wait3A_46] : memref<320000x128xf32, #tpu.memory_space<hbm>> -> memref<128x128xf32, #tpu.memory_space<hbm>>
          tpu.wait_dma2 semaphore(%run_scoped3A : memref<!tpu.dma_semaphore, #tpu.memory_space<semaphore_mem>>) src(%dma_wait3A_47 : memref<128x128xf32, #tpu.memory_space<hbm>>) dst(%arg6 : memref<128x128xf32, #tpu.memory_space<vmem>>)
          tpu.yield
        }) : () -> ()
        "tpu.region"() ({
          %run_scoped3A = tpu.sem_alloc : memref<!tpu.dma_semaphore, #tpu.memory_space<semaphore_mem>>
          %dma_start3A = arith.constant 0 : i32
          %dma_start3A_42 = arith.constant 0 : i32
          %dma_start3A_43 = tpu.memref_slice %arg7[%dma_start3A, %dma_start3A_42] : memref<10000x128xf32, #tpu.memory_space<vmem_shared>> -> memref<10000x128xf32, #tpu.memory_space<vmem_shared>>
          tpu.enqueue_indirect_dma source(%arg6 : memref<128x128xf32, #tpu.memory_space<vmem>>) target(%dma_start3A_43 : memref<10000x128xf32, #tpu.memory_space<vmem_shared>>) offsets(%arg5 : memref<128xi32, #tpu.memory_space<vmem>>) semaphore(%run_scoped3A : memref<!tpu.dma_semaphore, #tpu.memory_space<semaphore_mem>>) {add = true}
          %dma_wait3A = arith.constant 0 : i32
          %dma_wait3A_44 = arith.constant 0 : i32
          %dma_wait3A_45 = tpu.memref_slice %arg7[%dma_wait3A, %dma_wait3A_44] : memref<10000x128xf32, #tpu.memory_space<vmem_shared>> -> memref<10000x128xf32, #tpu.memory_space<vmem_shared>>
          tpu.wait_indirect_dma semaphore(%run_scoped3A : memref<!tpu.dma_semaphore, #tpu.memory_space<semaphore_mem>>) src(%arg6 : memref<128x128xf32, #tpu.memory_space<vmem>>) dst(%dma_wait3A_45 : memref<10000x128xf32, #tpu.memory_space<vmem_shared>>)
          tpu.yield
        }) : () -> ()
      } else {
      }
    }
    %scan3A_16 = arith.constant 79 : i32
    %barrier3A_17 = arith.constant 0 : index
    tpu.barrier barrier_id(%barrier3A_17)
    %scan3A_18 = arith.constant 0 : i32
    %scan3A_19 = arith.constant 5 : i32
    %scan3A_20 = arith.addi %scan3A_18, %scan3A_19 : i32
    %scan3A_21 = arith.constant 1 : i32
    scf.for %scan3A_28 = %scan3A_18 to %scan3A_20 step %scan3A_21  : i32 {
      %mul3A_29 = arith.constant 1 : i32
      %mul3A_30 = arith.muli %scan3A_28, %mul3A_29 : i32
      %add3A_31 = arith.constant 0 : i32
      %add3A_32 = arith.addi %add3A_31, %mul3A_30 : i32
      %mul3A_33 = arith.constant 16 : i32
      %mul3A_34 = arith.muli %mul3A_33, %add3A_32 : i32
      %add3A_35 = arith.addi %arg1, %mul3A_34 : i32
      %lt3A = arith.constant 78 : i32
      %lt3A_36 = arith.cmpi slt, %add3A_35, %lt3A : i32
      %convert_element_type3A_37 = arith.extui %lt3A_36 : i1 to i32
      %cond3A_38 = arith.constant 0 : i32
      %cond3A_39 = arith.cmpi ne, %convert_element_type3A_37, %cond3A_38 : i32
      scf.if %cond3A_39 {
        %mul3A_40 = arith.constant 128 : i32
        %mul3A_41 = arith.muli %add3A_35, %mul3A_40 : i32
        %mul3A_42 = arith.constant 128 : i32
        %mul3A_43 = arith.muli %add3A_35, %mul3A_42 : i32
        "tpu.region"() ({
          %run_scoped3A = tpu.sem_alloc : memref<!tpu.dma_semaphore, #tpu.memory_space<semaphore_mem>>
          %dma_start3A = arith.constant 0 : i32
          %dma_start3A_44 = tpu.memref_slice %arg4[%arg0, %mul3A_43, %dma_start3A] : memref<2x10000x128xf32, #tpu.memory_space<hbm>> -> memref<1x128x128xf32, #tpu.memory_space<hbm>>
          %dma_start3A_45 = tpu.memref_squeeze %dma_start3A_44 : memref<1x128x128xf32, #tpu.memory_space<hbm>> -> memref<128x128xf32, #tpu.memory_space<hbm>>
          %dma_start3A_46 = arith.constant 0 : i32
          %dma_start3A_47 = tpu.memref_slice %arg7[%mul3A_41, %dma_start3A_46] : memref<10000x128xf32, #tpu.memory_space<vmem_shared>> -> memref<128x128xf32, #tpu.memory_space<vmem_shared>>
          tpu.enqueue_dma source(%dma_start3A_47 : memref<128x128xf32, #tpu.memory_space<vmem_shared>>) target(%dma_start3A_45 : memref<128x128xf32, #tpu.memory_space<hbm>>) target_semaphore(%run_scoped3A : memref<!tpu.dma_semaphore, #tpu.memory_space<semaphore_mem>>)
          %dma_wait3A = arith.constant 0 : i32
          %dma_wait3A_48 = tpu.memref_slice %arg4[%arg0, %mul3A_43, %dma_wait3A] : memref<2x10000x128xf32, #tpu.memory_space<hbm>> -> memref<1x128x128xf32, #tpu.memory_space<hbm>>
          %dma_wait3A_49 = tpu.memref_squeeze %dma_wait3A_48 : memref<1x128x128xf32, #tpu.memory_space<hbm>> -> memref<128x128xf32, #tpu.memory_space<hbm>>
          %dma_wait3A_50 = arith.constant 0 : i32
          %dma_wait3A_51 = tpu.memref_slice %arg7[%mul3A_41, %dma_wait3A_50] : memref<10000x128xf32, #tpu.memory_space<vmem_shared>> -> memref<128x128xf32, #tpu.memory_space<vmem_shared>>
          tpu.wait_dma2 semaphore(%run_scoped3A : memref<!tpu.dma_semaphore, #tpu.memory_space<semaphore_mem>>) src(%dma_wait3A_51 : memref<128x128xf32, #tpu.memory_space<vmem_shared>>) dst(%dma_wait3A_49 : memref<128x128xf32, #tpu.memory_space<hbm>>)
          tpu.yield
        }) : () -> ()
      } else {
      }
    }
    %scan3A_22 = arith.constant 5 : i32
    %eq3A_23 = arith.constant 15 : i32
    %eq3A_24 = arith.cmpi eq, %arg1, %eq3A_23 : i32
    %convert_element_type3A_25 = arith.extui %eq3A_24 : i1 to i32
    %cond3A_26 = arith.constant 0 : i32
    %cond3A_27 = arith.cmpi ne, %convert_element_type3A_25, %cond3A_26 : i32
    scf.if %cond3A_27 {
      "tpu.region"() ({
        %run_scoped3A = tpu.sem_alloc : memref<!tpu.dma_semaphore, #tpu.memory_space<semaphore_mem>>
        %dma_start3A = arith.constant 9984 : i32
        %dma_start3A_28 = arith.constant 0 : i32
        %dma_start3A_29 = tpu.memref_slice %arg4[%arg0, %dma_start3A, %dma_start3A_28] : memref<2x10000x128xf32, #tpu.memory_space<hbm>> -> memref<1x16x128xf32, #tpu.memory_space<hbm>>
        %dma_start3A_30 = tpu.memref_squeeze %dma_start3A_29 : memref<1x16x128xf32, #tpu.memory_space<hbm>> -> memref<16x128xf32, #tpu.memory_space<hbm>>
        %dma_start3A_31 = arith.constant 9984 : i32
        %dma_start3A_32 = arith.constant 0 : i32
        %dma_start3A_33 = tpu.memref_slice %arg7[%dma_start3A_31, %dma_start3A_32] : memref<10000x128xf32, #tpu.memory_space<vmem_shared>> -> memref<16x128xf32, #tpu.memory_space<vmem_shared>>
        tpu.enqueue_dma source(%dma_start3A_33 : memref<16x128xf32, #tpu.memory_space<vmem_shared>>) target(%dma_start3A_30 : memref<16x128xf32, #tpu.memory_space<hbm>>) target_semaphore(%run_scoped3A : memref<!tpu.dma_semaphore, #tpu.memory_space<semaphore_mem>>)
        %dma_wait3A = arith.constant 9984 : i32
        %dma_wait3A_34 = arith.constant 0 : i32
        %dma_wait3A_35 = tpu.memref_slice %arg4[%arg0, %dma_wait3A, %dma_wait3A_34] : memref<2x10000x128xf32, #tpu.memory_space<hbm>> -> memref<1x16x128xf32, #tpu.memory_space<hbm>>
        %dma_wait3A_36 = tpu.memref_squeeze %dma_wait3A_35 : memref<1x16x128xf32, #tpu.memory_space<hbm>> -> memref<16x128xf32, #tpu.memory_space<hbm>>
        %dma_wait3A_37 = arith.constant 9984 : i32
        %dma_wait3A_38 = arith.constant 0 : i32
        %dma_wait3A_39 = tpu.memref_slice %arg7[%dma_wait3A_37, %dma_wait3A_38] : memref<10000x128xf32, #tpu.memory_space<vmem_shared>> -> memref<16x128xf32, #tpu.memory_space<vmem_shared>>
        tpu.wait_dma2 semaphore(%run_scoped3A : memref<!tpu.dma_semaphore, #tpu.memory_space<semaphore_mem>>) src(%dma_wait3A_39 : memref<16x128xf32, #tpu.memory_space<vmem_shared>>) dst(%dma_wait3A_36 : memref<16x128xf32, #tpu.memory_space<hbm>>)
        tpu.yield
      }) : () -> ()
    } else {
    }
    return
  }
}

module attributes {stable_mosaic.version = 14 : i64} {
  func.func @_edge_mlp_body(%arg0: i32, %arg1: memref<2000x128xf32, #tpu.memory_space<vmem>>, %arg2: memref<2000x128xf32, #tpu.memory_space<vmem>>, %arg3: memref<2000x128xf32, #tpu.memory_space<vmem>>, %arg4: memref<128x128xf32, #tpu.memory_space<vmem>>, %arg5: memref<128x128xf32, #tpu.memory_space<vmem>>, %arg6: memref<128x128xf32, #tpu.memory_space<vmem>>, %arg7: memref<1x128xf32, #tpu.memory_space<vmem>>, %arg8: memref<128x128xf32, #tpu.memory_space<vmem>>, %arg9: memref<1x128xf32, #tpu.memory_space<vmem>>, %arg10: memref<1x128xf32, #tpu.memory_space<vmem>>, %arg11: memref<1x128xf32, #tpu.memory_space<vmem>>, %arg12: memref<2000x128xf32, #tpu.memory_space<vmem>>) attributes {dimension_semantics = [#tpu.dimension_semantics<arbitrary>], iteration_bounds = array<i64: 160>, scalar_prefetch = 0 : i64, scratch_operands = 0 : i64, tpu.core_type = #tpu.core_type<tc>, window_params = [{transform_indices = @transform_0, window_bounds = array<i64: 2000, 128>}, {transform_indices = @transform_1, window_bounds = array<i64: 2000, 128>}, {transform_indices = @transform_2, window_bounds = array<i64: 2000, 128>}, {pipeline_mode = #tpu.pipeline_mode<synchronous>, transform_indices = @transform_3, window_bounds = array<i64: 128, 128>}, {pipeline_mode = #tpu.pipeline_mode<synchronous>, transform_indices = @transform_4, window_bounds = array<i64: 128, 128>}, {pipeline_mode = #tpu.pipeline_mode<synchronous>, transform_indices = @transform_5, window_bounds = array<i64: 128, 128>}, {pipeline_mode = #tpu.pipeline_mode<synchronous>, transform_indices = @transform_6, window_bounds = array<i64: 1, 128>}, {pipeline_mode = #tpu.pipeline_mode<synchronous>, transform_indices = @transform_7, window_bounds = array<i64: 128, 128>}, {pipeline_mode = #tpu.pipeline_mode<synchronous>, transform_indices = @transform_8, window_bounds = array<i64: 1, 128>}, {pipeline_mode = #tpu.pipeline_mode<synchronous>, transform_indices = @transform_9, window_bounds = array<i64: 1, 128>}, {pipeline_mode = #tpu.pipeline_mode<synchronous>, transform_indices = @transform_10, window_bounds = array<i64: 1, 128>}, {transform_indices = @transform_11, window_bounds = array<i64: 2000, 128>}]} {
    %get3A = arith.constant 0 : index
    %get3A_0 = arith.constant 0 : index
    %get3A_1 = vector.load %arg1[%get3A, %get3A_0] : memref<2000x128xf32, #tpu.memory_space<vmem>>, vector<2000x128xf32>
    %get3A_2 = arith.constant 0 : index
    %get3A_3 = arith.constant 0 : index
    %get3A_4 = vector.load %arg4[%get3A_2, %get3A_3] : memref<128x128xf32, #tpu.memory_space<vmem>>, vector<128x128xf32>
    %dot_general3A = arith.constant dense<0.000000e+00> : vector<2000x128xf32>
    %dot_general3A_5 = tpu.matmul %get3A_1, %get3A_4, %dot_general3A {dimension_numbers = #tpu.dot_dimension_numbers<[1], [0], [0], [1], [0, 0, 1, 1], [], []>, transpose_lhs_hint = false} : vector<2000x128xf32>, vector<128x128xf32>, vector<2000x128xf32> -> vector<2000x128xf32>
    %get3A_6 = arith.constant 0 : index
    %get3A_7 = arith.constant 0 : index
    %get3A_8 = vector.load %arg2[%get3A_6, %get3A_7] : memref<2000x128xf32, #tpu.memory_space<vmem>>, vector<2000x128xf32>
    %get3A_9 = arith.constant 0 : index
    %get3A_10 = arith.constant 0 : index
    %get3A_11 = vector.load %arg5[%get3A_9, %get3A_10] : memref<128x128xf32, #tpu.memory_space<vmem>>, vector<128x128xf32>
    %dot_general3A_12 = arith.constant dense<0.000000e+00> : vector<2000x128xf32>
    %dot_general3A_13 = tpu.matmul %get3A_8, %get3A_11, %dot_general3A_12 {dimension_numbers = #tpu.dot_dimension_numbers<[1], [0], [0], [1], [0, 0, 1, 1], [], []>, transpose_lhs_hint = false} : vector<2000x128xf32>, vector<128x128xf32>, vector<2000x128xf32> -> vector<2000x128xf32>
    %add3A = arith.addf %dot_general3A_5, %dot_general3A_13 : vector<2000x128xf32>
    %get3A_14 = arith.constant 0 : index
    %get3A_15 = arith.constant 0 : index
    %get3A_16 = vector.load %arg3[%get3A_14, %get3A_15] : memref<2000x128xf32, #tpu.memory_space<vmem>>, vector<2000x128xf32>
    %get3A_17 = arith.constant 0 : index
    %get3A_18 = arith.constant 0 : index
    %get3A_19 = vector.load %arg6[%get3A_17, %get3A_18] : memref<128x128xf32, #tpu.memory_space<vmem>>, vector<128x128xf32>
    %dot_general3A_20 = arith.constant dense<0.000000e+00> : vector<2000x128xf32>
    %dot_general3A_21 = tpu.matmul %get3A_16, %get3A_19, %dot_general3A_20 {dimension_numbers = #tpu.dot_dimension_numbers<[1], [0], [0], [1], [0, 0, 1, 1], [], []>, transpose_lhs_hint = false} : vector<2000x128xf32>, vector<128x128xf32>, vector<2000x128xf32> -> vector<2000x128xf32>
    %add3A_22 = arith.addf %add3A, %dot_general3A_21 : vector<2000x128xf32>
    %get3A_23 = arith.constant 0 : index
    %get3A_24 = arith.constant 0 : index
    %get3A_25 = vector.load %arg7[%get3A_23, %get3A_24] : memref<1x128xf32, #tpu.memory_space<vmem>>, vector<1x128xf32>
    %add3A_26 = vector.broadcast %get3A_25 : vector<1x128xf32> to vector<2000x128xf32>
    %add3A_27 = arith.addf %add3A_22, %add3A_26 : vector<2000x128xf32>
    %logistic3A = arith.negf %add3A_27 : vector<2000x128xf32>
    %logistic3A_28 = math.exp %logistic3A : vector<2000x128xf32>
    %logistic3A_29 = arith.constant 1.000000e+00 : f32
    %logistic3A_30 = vector.broadcast %logistic3A_29 : f32 to vector<2000x128xf32>
    %logistic3A_31 = arith.addf %logistic3A_30, %logistic3A_28 : vector<2000x128xf32>
    %logistic3A_32 = arith.divf %logistic3A_30, %logistic3A_31 : vector<2000x128xf32>
    %mul3A = arith.mulf %add3A_27, %logistic3A_32 : vector<2000x128xf32>
    %get3A_33 = arith.constant 0 : index
    %get3A_34 = arith.constant 0 : index
    %get3A_35 = vector.load %arg8[%get3A_33, %get3A_34] : memref<128x128xf32, #tpu.memory_space<vmem>>, vector<128x128xf32>
    %dot_general3A_36 = arith.constant dense<0.000000e+00> : vector<2000x128xf32>
    %dot_general3A_37 = tpu.matmul %mul3A, %get3A_35, %dot_general3A_36 {dimension_numbers = #tpu.dot_dimension_numbers<[1], [0], [0], [1], [0, 0, 1, 1], [], []>, transpose_lhs_hint = false} : vector<2000x128xf32>, vector<128x128xf32>, vector<2000x128xf32> -> vector<2000x128xf32>
    %get3A_38 = arith.constant 0 : index
    %get3A_39 = arith.constant 0 : index
    %get3A_40 = vector.load %arg9[%get3A_38, %get3A_39] : memref<1x128xf32, #tpu.memory_space<vmem>>, vector<1x128xf32>
    %add3A_41 = vector.broadcast %get3A_40 : vector<1x128xf32> to vector<2000x128xf32>
    %add3A_42 = arith.addf %dot_general3A_37, %add3A_41 : vector<2000x128xf32>
    %reduce_sum3A = arith.constant dense<0.000000e+00> : vector<2000xf32>
    %reduce_sum3A_43 = vector.multi_reduction <add>, %add3A_42, %reduce_sum3A [1] : vector<2000x128xf32> to vector<2000xf32>
    %broadcast_in_dim3A = vector.shape_cast %reduce_sum3A_43 : vector<2000xf32> to vector<2000x1xf32>
    %div3A = arith.constant 1.280000e+02 : f32
    %div3A_44 = vector.broadcast %div3A : f32 to vector<2000x1xf32>
    %div3A_45 = arith.divf %broadcast_in_dim3A, %div3A_44 : vector<2000x1xf32>
    %sub3A = vector.broadcast %div3A_45 : vector<2000x1xf32> to vector<2000x128xf32>
    %sub3A_46 = arith.subf %add3A_42, %sub3A : vector<2000x128xf32>
    %square3A = arith.mulf %sub3A_46, %sub3A_46 : vector<2000x128xf32>
    %reduce_sum3A_47 = arith.constant dense<0.000000e+00> : vector<2000xf32>
    %reduce_sum3A_48 = vector.multi_reduction <add>, %square3A, %reduce_sum3A_47 [1] : vector<2000x128xf32> to vector<2000xf32>
    %broadcast_in_dim3A_49 = vector.shape_cast %reduce_sum3A_48 : vector<2000xf32> to vector<2000x1xf32>
    %div3A_50 = arith.constant 1.280000e+02 : f32
    %div3A_51 = vector.broadcast %div3A_50 : f32 to vector<2000x1xf32>
    %div3A_52 = arith.divf %broadcast_in_dim3A_49, %div3A_51 : vector<2000x1xf32>
    %sub3A_53 = vector.broadcast %div3A_45 : vector<2000x1xf32> to vector<2000x128xf32>
    %sub3A_54 = arith.subf %add3A_42, %sub3A_53 : vector<2000x128xf32>
    %add3A_55 = arith.constant 9.99999974E-6 : f32
    %add3A_56 = vector.broadcast %add3A_55 : f32 to vector<2000x1xf32>
    %add3A_57 = arith.addf %div3A_52, %add3A_56 : vector<2000x1xf32>
    %rsqrt3A = math.rsqrt %add3A_57 : vector<2000x1xf32>
    %mul3A_58 = vector.broadcast %rsqrt3A : vector<2000x1xf32> to vector<2000x128xf32>
    %mul3A_59 = arith.mulf %sub3A_54, %mul3A_58 : vector<2000x128xf32>
    %get3A_60 = arith.constant 0 : index
    %get3A_61 = arith.constant 0 : index
    %get3A_62 = vector.load %arg10[%get3A_60, %get3A_61] : memref<1x128xf32, #tpu.memory_space<vmem>>, vector<1x128xf32>
    %mul3A_63 = vector.broadcast %get3A_62 : vector<1x128xf32> to vector<2000x128xf32>
    %mul3A_64 = arith.mulf %mul3A_59, %mul3A_63 : vector<2000x128xf32>
    %get3A_65 = arith.constant 0 : index
    %get3A_66 = arith.constant 0 : index
    %get3A_67 = vector.load %arg11[%get3A_65, %get3A_66] : memref<1x128xf32, #tpu.memory_space<vmem>>, vector<1x128xf32>
    %add3A_68 = vector.broadcast %get3A_67 : vector<1x128xf32> to vector<2000x128xf32>
    %add3A_69 = arith.addf %mul3A_64, %add3A_68 : vector<2000x128xf32>
    %swap3A = arith.constant 0 : index
    %swap3A_70 = arith.constant 0 : index
    %swap3A_71 = vector.load %arg12[%swap3A, %swap3A_70] : memref<2000x128xf32, #tpu.memory_space<vmem>>, vector<2000x128xf32>
    tpu.vector_store %arg12[%swap3A, %swap3A_70], %add3A_69 {strides = array<i32>} : memref<2000x128xf32, #tpu.memory_space<vmem>>, vector<2000x128xf32>,
    return
  }
  func.func @transform_0(%arg0: i32) -> (i32, i32) {
    %c0_i32 = arith.constant 0 : i32
    %c0_i32_0 = arith.constant 0 : i32
    return %arg0, %c0_i32 : i32, i32
  }
  func.func @transform_1(%arg0: i32) -> (i32, i32) {
    %c0_i32 = arith.constant 0 : i32
    %c0_i32_0 = arith.constant 0 : i32
    return %arg0, %c0_i32 : i32, i32
  }
  func.func @transform_2(%arg0: i32) -> (i32, i32) {
    %c0_i32 = arith.constant 0 : i32
    %c0_i32_0 = arith.constant 0 : i32
    return %arg0, %c0_i32 : i32, i32
  }
  func.func @transform_3(%arg0: i32) -> (i32, i32) {
    %c0_i32 = arith.constant 0 : i32
    %c0_i32_0 = arith.constant 0 : i32
    %c0_i32_1 = arith.constant 0 : i32
    return %c0_i32, %c0_i32_0 : i32, i32
  }
  func.func @transform_4(%arg0: i32) -> (i32, i32) {
    %c0_i32 = arith.constant 0 : i32
    %c0_i32_0 = arith.constant 0 : i32
    %c0_i32_1 = arith.constant 0 : i32
    return %c0_i32, %c0_i32_0 : i32, i32
  }
  func.func @transform_5(%arg0: i32) -> (i32, i32) {
    %c0_i32 = arith.constant 0 : i32
    %c0_i32_0 = arith.constant 0 : i32
    %c0_i32_1 = arith.constant 0 : i32
    return %c0_i32, %c0_i32_0 : i32, i32
  }
  func.func @transform_6(%arg0: i32) -> (i32, i32) {
    %c0_i32 = arith.constant 0 : i32
    %c0_i32_0 = arith.constant 0 : i32
    %c0_i32_1 = arith.constant 0 : i32
    return %c0_i32, %c0_i32_0 : i32, i32
  }
  func.func @transform_7(%arg0: i32) -> (i32, i32) {
    %c0_i32 = arith.constant 0 : i32
    %c0_i32_0 = arith.constant 0 : i32
    %c0_i32_1 = arith.constant 0 : i32
    return %c0_i32, %c0_i32_0 : i32, i32
  }
  func.func @transform_8(%arg0: i32) -> (i32, i32) {
    %c0_i32 = arith.constant 0 : i32
    %c0_i32_0 = arith.constant 0 : i32
    %c0_i32_1 = arith.constant 0 : i32
    return %c0_i32, %c0_i32_0 : i32, i32
  }
  func.func @transform_9(%arg0: i32) -> (i32, i32) {
    %c0_i32 = arith.constant 0 : i32
    %c0_i32_0 = arith.constant 0 : i32
    %c0_i32_1 = arith.constant 0 : i32
    return %c0_i32, %c0_i32_0 : i32, i32
  }
  func.func @transform_10(%arg0: i32) -> (i32, i32) {
    %c0_i32 = arith.constant 0 : i32
    %c0_i32_0 = arith.constant 0 : i32
    %c0_i32_1 = arith.constant 0 : i32
    return %c0_i32, %c0_i32_0 : i32, i32
  }
  func.func @transform_11(%arg0: i32) -> (i32, i32) {
    %c0_i32 = arith.constant 0 : i32
    %c0_i32_0 = arith.constant 0 : i32
    return %arg0, %c0_i32 : i32, i32
  }
}

module attributes {stable_mosaic.version = 14 : i64} {
  func.func @_node_mlp_body(%arg0: i32, %arg1: memref<2x1000x128xf32, #tpu.memory_space<vmem>>, %arg2: memref<1000x128xf32, #tpu.memory_space<vmem>>, %arg3: memref<128x128xf32, #tpu.memory_space<vmem>>, %arg4: memref<128x128xf32, #tpu.memory_space<vmem>>, %arg5: memref<1x128xf32, #tpu.memory_space<vmem>>, %arg6: memref<128x128xf32, #tpu.memory_space<vmem>>, %arg7: memref<1x128xf32, #tpu.memory_space<vmem>>, %arg8: memref<1x128xf32, #tpu.memory_space<vmem>>, %arg9: memref<1x128xf32, #tpu.memory_space<vmem>>, %arg10: memref<1000x128xf32, #tpu.memory_space<vmem>>) attributes {dimension_semantics = [#tpu.dimension_semantics<arbitrary>], iteration_bounds = array<i64: 10>, scalar_prefetch = 0 : i64, scratch_operands = 0 : i64, tpu.core_type = #tpu.core_type<tc>, window_params = [{transform_indices = @transform_0, window_bounds = array<i64: 2, 1000, 128>}, {transform_indices = @transform_1, window_bounds = array<i64: 1000, 128>}, {pipeline_mode = #tpu.pipeline_mode<synchronous>, transform_indices = @transform_2, window_bounds = array<i64: 128, 128>}, {pipeline_mode = #tpu.pipeline_mode<synchronous>, transform_indices = @transform_3, window_bounds = array<i64: 128, 128>}, {pipeline_mode = #tpu.pipeline_mode<synchronous>, transform_indices = @transform_4, window_bounds = array<i64: 1, 128>}, {pipeline_mode = #tpu.pipeline_mode<synchronous>, transform_indices = @transform_5, window_bounds = array<i64: 128, 128>}, {pipeline_mode = #tpu.pipeline_mode<synchronous>, transform_indices = @transform_6, window_bounds = array<i64: 1, 128>}, {pipeline_mode = #tpu.pipeline_mode<synchronous>, transform_indices = @transform_7, window_bounds = array<i64: 1, 128>}, {pipeline_mode = #tpu.pipeline_mode<synchronous>, transform_indices = @transform_8, window_bounds = array<i64: 1, 128>}, {transform_indices = @transform_9, window_bounds = array<i64: 1000, 128>}]} {
    %get3A = arith.constant 0 : index
    %get3A_0 = arith.constant 0 : index
    %get3A_1 = arith.constant 0 : index
    %get3A_2 = vector.load %arg1[%get3A, %get3A_0, %get3A_1] : memref<2x1000x128xf32, #tpu.memory_space<vmem>>, vector<2x1000x128xf32>
    %slice3A = vector.extract_strided_slice %get3A_2 {offsets = [0, 0, 0], sizes = [1, 1000, 128], strides = [1, 1, 1]} : vector<2x1000x128xf32> to vector<1x1000x128xf32>
    %squeeze3A = vector.shape_cast %slice3A : vector<1x1000x128xf32> to vector<1000x128xf32>
    %slice3A_3 = vector.extract_strided_slice %get3A_2 {offsets = [1, 0, 0], sizes = [1, 1000, 128], strides = [1, 1, 1]} : vector<2x1000x128xf32> to vector<1x1000x128xf32>
    %squeeze3A_4 = vector.shape_cast %slice3A_3 : vector<1x1000x128xf32> to vector<1000x128xf32>
    %add3A = arith.addf %squeeze3A, %squeeze3A_4 : vector<1000x128xf32>
    %get3A_5 = arith.constant 0 : index
    %get3A_6 = arith.constant 0 : index
    %get3A_7 = vector.load %arg2[%get3A_5, %get3A_6] : memref<1000x128xf32, #tpu.memory_space<vmem>>, vector<1000x128xf32>
    %get3A_8 = arith.constant 0 : index
    %get3A_9 = arith.constant 0 : index
    %get3A_10 = vector.load %arg3[%get3A_8, %get3A_9] : memref<128x128xf32, #tpu.memory_space<vmem>>, vector<128x128xf32>
    %dot_general3A = arith.constant dense<0.000000e+00> : vector<1000x128xf32>
    %dot_general3A_11 = tpu.matmul %add3A, %get3A_10, %dot_general3A {dimension_numbers = #tpu.dot_dimension_numbers<[1], [0], [0], [1], [0, 0, 1, 1], [], []>, transpose_lhs_hint = false} : vector<1000x128xf32>, vector<128x128xf32>, vector<1000x128xf32> -> vector<1000x128xf32>
    %get3A_12 = arith.constant 0 : index
    %get3A_13 = arith.constant 0 : index
    %get3A_14 = vector.load %arg4[%get3A_12, %get3A_13] : memref<128x128xf32, #tpu.memory_space<vmem>>, vector<128x128xf32>
    %dot_general3A_15 = arith.constant dense<0.000000e+00> : vector<1000x128xf32>
    %dot_general3A_16 = tpu.matmul %get3A_7, %get3A_14, %dot_general3A_15 {dimension_numbers = #tpu.dot_dimension_numbers<[1], [0], [0], [1], [0, 0, 1, 1], [], []>, transpose_lhs_hint = false} : vector<1000x128xf32>, vector<128x128xf32>, vector<1000x128xf32> -> vector<1000x128xf32>
    %add3A_17 = arith.addf %dot_general3A_11, %dot_general3A_16 : vector<1000x128xf32>
    %get3A_18 = arith.constant 0 : index
    %get3A_19 = arith.constant 0 : index
    %get3A_20 = vector.load %arg5[%get3A_18, %get3A_19] : memref<1x128xf32, #tpu.memory_space<vmem>>, vector<1x128xf32>
    %add3A_21 = vector.broadcast %get3A_20 : vector<1x128xf32> to vector<1000x128xf32>
    %add3A_22 = arith.addf %add3A_17, %add3A_21 : vector<1000x128xf32>
    %logistic3A = arith.negf %add3A_22 : vector<1000x128xf32>
    %logistic3A_23 = math.exp %logistic3A : vector<1000x128xf32>
    %logistic3A_24 = arith.constant 1.000000e+00 : f32
    %logistic3A_25 = vector.broadcast %logistic3A_24 : f32 to vector<1000x128xf32>
    %logistic3A_26 = arith.addf %logistic3A_25, %logistic3A_23 : vector<1000x128xf32>
    %logistic3A_27 = arith.divf %logistic3A_25, %logistic3A_26 : vector<1000x128xf32>
    %mul3A = arith.mulf %add3A_22, %logistic3A_27 : vector<1000x128xf32>
    %get3A_28 = arith.constant 0 : index
    %get3A_29 = arith.constant 0 : index
    %get3A_30 = vector.load %arg6[%get3A_28, %get3A_29] : memref<128x128xf32, #tpu.memory_space<vmem>>, vector<128x128xf32>
    %dot_general3A_31 = arith.constant dense<0.000000e+00> : vector<1000x128xf32>
    %dot_general3A_32 = tpu.matmul %mul3A, %get3A_30, %dot_general3A_31 {dimension_numbers = #tpu.dot_dimension_numbers<[1], [0], [0], [1], [0, 0, 1, 1], [], []>, transpose_lhs_hint = false} : vector<1000x128xf32>, vector<128x128xf32>, vector<1000x128xf32> -> vector<1000x128xf32>
    %get3A_33 = arith.constant 0 : index
    %get3A_34 = arith.constant 0 : index
    %get3A_35 = vector.load %arg7[%get3A_33, %get3A_34] : memref<1x128xf32, #tpu.memory_space<vmem>>, vector<1x128xf32>
    %add3A_36 = vector.broadcast %get3A_35 : vector<1x128xf32> to vector<1000x128xf32>
    %add3A_37 = arith.addf %dot_general3A_32, %add3A_36 : vector<1000x128xf32>
    %reduce_sum3A = arith.constant dense<0.000000e+00> : vector<1000xf32>
    %reduce_sum3A_38 = vector.multi_reduction <add>, %add3A_37, %reduce_sum3A [1] : vector<1000x128xf32> to vector<1000xf32>
    %broadcast_in_dim3A = vector.shape_cast %reduce_sum3A_38 : vector<1000xf32> to vector<1000x1xf32>
    %div3A = arith.constant 1.280000e+02 : f32
    %div3A_39 = vector.broadcast %div3A : f32 to vector<1000x1xf32>
    %div3A_40 = arith.divf %broadcast_in_dim3A, %div3A_39 : vector<1000x1xf32>
    %sub3A = vector.broadcast %div3A_40 : vector<1000x1xf32> to vector<1000x128xf32>
    %sub3A_41 = arith.subf %add3A_37, %sub3A : vector<1000x128xf32>
    %square3A = arith.mulf %sub3A_41, %sub3A_41 : vector<1000x128xf32>
    %reduce_sum3A_42 = arith.constant dense<0.000000e+00> : vector<1000xf32>
    %reduce_sum3A_43 = vector.multi_reduction <add>, %square3A, %reduce_sum3A_42 [1] : vector<1000x128xf32> to vector<1000xf32>
    %broadcast_in_dim3A_44 = vector.shape_cast %reduce_sum3A_43 : vector<1000xf32> to vector<1000x1xf32>
    %div3A_45 = arith.constant 1.280000e+02 : f32
    %div3A_46 = vector.broadcast %div3A_45 : f32 to vector<1000x1xf32>
    %div3A_47 = arith.divf %broadcast_in_dim3A_44, %div3A_46 : vector<1000x1xf32>
    %sub3A_48 = vector.broadcast %div3A_40 : vector<1000x1xf32> to vector<1000x128xf32>
    %sub3A_49 = arith.subf %add3A_37, %sub3A_48 : vector<1000x128xf32>
    %add3A_50 = arith.constant 9.99999974E-6 : f32
    %add3A_51 = vector.broadcast %add3A_50 : f32 to vector<1000x1xf32>
    %add3A_52 = arith.addf %div3A_47, %add3A_51 : vector<1000x1xf32>
    %rsqrt3A = math.rsqrt %add3A_52 : vector<1000x1xf32>
    %mul3A_53 = vector.broadcast %rsqrt3A : vector<1000x1xf32> to vector<1000x128xf32>
    %mul3A_54 = arith.mulf %sub3A_49, %mul3A_53 : vector<1000x128xf32>
    %get3A_55 = arith.constant 0 : index
    %get3A_56 = arith.constant 0 : index
    %get3A_57 = vector.load %arg8[%get3A_55, %get3A_56] : memref<1x128xf32, #tpu.memory_space<vmem>>, vector<1x128xf32>
    %mul3A_58 = vector.broadcast %get3A_57 : vector<1x128xf32> to vector<1000x128xf32>
    %mul3A_59 = arith.mulf %mul3A_54, %mul3A_58 : vector<1000x128xf32>
    %get3A_60 = arith.constant 0 : index
    %get3A_61 = arith.constant 0 : index
    %get3A_62 = vector.load %arg9[%get3A_60, %get3A_61] : memref<1x128xf32, #tpu.memory_space<vmem>>, vector<1x128xf32>
    %add3A_63 = vector.broadcast %get3A_62 : vector<1x128xf32> to vector<1000x128xf32>
    %add3A_64 = arith.addf %mul3A_59, %add3A_63 : vector<1000x128xf32>
    %add3A_65 = arith.addf %add3A_64, %get3A_7 : vector<1000x128xf32>
    %swap3A = arith.constant 0 : index
    %swap3A_66 = arith.constant 0 : index
    %swap3A_67 = vector.load %arg10[%swap3A, %swap3A_66] : memref<1000x128xf32, #tpu.memory_space<vmem>>, vector<1000x128xf32>
    tpu.vector_store %arg10[%swap3A, %swap3A_66], %add3A_65 {strides = array<i32>} : memref<1000x128xf32, #tpu.memory_space<vmem>>, vector<1000x128xf32>,
    return
  }
  func.func @transform_0(%arg0: i32) -> (i32, i32, i32) {
    %c0_i32 = arith.constant 0 : i32
    %c0_i32_0 = arith.constant 0 : i32
    %c0_i32_1 = arith.constant 0 : i32
    return %c0_i32, %arg0, %c0_i32_0 : i32, i32, i32
  }
  func.func @transform_1(%arg0: i32) -> (i32, i32) {
    %c0_i32 = arith.constant 0 : i32
    %c0_i32_0 = arith.constant 0 : i32
    return %arg0, %c0_i32 : i32, i32
  }
  func.func @transform_2(%arg0: i32) -> (i32, i32) {
    %c0_i32 = arith.constant 0 : i32
    %c0_i32_0 = arith.constant 0 : i32
    %c0_i32_1 = arith.constant 0 : i32
    return %c0_i32, %c0_i32_0 : i32, i32
  }
  func.func @transform_3(%arg0: i32) -> (i32, i32) {
    %c0_i32 = arith.constant 0 : i32
    %c0_i32_0 = arith.constant 0 : i32
    %c0_i32_1 = arith.constant 0 : i32
    return %c0_i32, %c0_i32_0 : i32, i32
  }
  func.func @transform_4(%arg0: i32) -> (i32, i32) {
    %c0_i32 = arith.constant 0 : i32
    %c0_i32_0 = arith.constant 0 : i32
    %c0_i32_1 = arith.constant 0 : i32
    return %c0_i32, %c0_i32_0 : i32, i32
  }
  func.func @transform_5(%arg0: i32) -> (i32, i32) {
    %c0_i32 = arith.constant 0 : i32
    %c0_i32_0 = arith.constant 0 : i32
    %c0_i32_1 = arith.constant 0 : i32
    return %c0_i32, %c0_i32_0 : i32, i32
  }
  func.func @transform_6(%arg0: i32) -> (i32, i32) {
    %c0_i32 = arith.constant 0 : i32
    %c0_i32_0 = arith.constant 0 : i32
    %c0_i32_1 = arith.constant 0 : i32
    return %c0_i32, %c0_i32_0 : i32, i32
  }
  func.func @transform_7(%arg0: i32) -> (i32, i32) {
    %c0_i32 = arith.constant 0 : i32
    %c0_i32_0 = arith.constant 0 : i32
    %c0_i32_1 = arith.constant 0 : i32
    return %c0_i32, %c0_i32_0 : i32, i32
  }
  func.func @transform_8(%arg0: i32) -> (i32, i32) {
    %c0_i32 = arith.constant 0 : i32
    %c0_i32_0 = arith.constant 0 : i32
    %c0_i32_1 = arith.constant 0 : i32
    return %c0_i32, %c0_i32_0 : i32, i32
  }
  func.func @transform_9(%arg0: i32) -> (i32, i32) {
    %c0_i32 = arith.constant 0 : i32
    %c0_i32_0 = arith.constant 0 : i32
    return %arg0, %c0_i32 : i32, i32
  }
}

</mosaic_0001>

<sc_bundles>
// kernel: kernel.6.cloned.1.call-start
scs
__scs_entry_jumppad:
0x0: {  	(pc) =	sbr.rel $0x88, $3  }
0x1: {  	(tag) =	ssettag $0x0;
	lr =	simm.s32 $0x1  }
0x2: {  	[smem:$0x3F91] =	sst lr;
	_ =	strace $0xD0000000  }
0x3: {  	_ = 	snop  }
0x4: {  	_ = 	snop  }
0x5: {  	_ = 	snop  }
0x6: {  	_ = 	snop  }
0x7: {  	_ = 	snop  }
__scs_overlays_trampoline_lowered:
0x8: {  	[smem:$0x3FA0] =	sst s0  }
0x9: {  	[smem:$0x3FA1] =	sst s1  }
0xa: {  	[smem:$0x3FA2] =	sst s2  }
0xb: {  	[smem:$0x3FA3] =	sst s3  }
0xc: {  	[smem:$0x3FA4] =	sst s4  }
0xd: {  	[smem:$0x3FA5] =	sst s5  }
0xe: {  	[smem:$0x3FA6] =	sst s6  }
0xf: {  	[smem:$0x3FA7] =	sst s7  }
0x10: {  	[smem:$0x3FA8] =	sst s8  }
0x11: {  	[smem:$0x3FA9] =	sst s9;
	s0 =	simm.s32 @!p0 $0x0  }
0x12: {  	s1 =	sld [smem:$0x3F8F];
	s0 =	simm.s32 @p0 $0x1  }
0x13: {  	[smem:$0x3FAA] =	sst s0;
	s0 =	simm.s32 @!p1 $0x0  }
0x14: {  	s2 =	sld [smem:$0x3F8E];
	s0 =	simm.s32 @p1 $0x1  }
0x15: {  	[smem:$0x3FAB] =	sst s0;
	s0 =	simm.s32 @!p2 $0x0  }
0x16: {  	s3 =	sld [smem:$0x3FDB];
	s0 =	simm.s32 @p2 $0x1  }
0x17: {  	s4 =	simm.s32 $0x1BF5;
	[smem:$0x3FAD] =	sst s0  }
0x18: {  	s0 =	sld [smem:$0x3F90];
	_ =	swait.ge [sflag:s4], $0x0  }
0x19: {  	s7 =	sld [smem:$0x3F91]  }
0x1a: {  	s8 =	sadd.s32 $0xFFFFE003, lr  }
0x1b: {  	s9 =	sadd.s32 $0xFFFFFEF7, lr;
	s5 =	simm.s32 $0xFFFFFFFF;
	p2 =	slt.u32 s8, $0xFFFFF086  }
0x1c: {  	p1 =	slt.u32 s9, $0xF7A;
	s5 =	simm.s32 @!p2 $0x0  }
0x1d: {  	s5 =	simm.s32 @p1 $0x1;
	p0 =	seq.s32 s7, s2  }
0x1e: {  	s7 =	smul.u32 @!p0 $0xF7A, s2;
	p2 =	seq.s32 @!p0 s5, $0x0  }
0x1f: {  	s9 =	smul.u32 $0xF7A, s1;
	s8 =	simm.s32 @!p0 $0x1BF5;
	p2 =	por !p2, p0  }
0x20: {  	[sflag:s8] =	ssyncset.s32 @!p0 $0xFFFFF086;
	s6 =	sadd.s32 @!p0 s3, s7;
	s7 =	simm.s32 @!p0 $0x108  }
0x21: {  	s3 =	sadd.s32 s3, s9;
	s6 =	sadd.s32 @!p0 $0x88, s6;
	s7 =	simm.s32 @p2 $0x1082  }
0x22: {  	[simem:s7], [sflag:s8] =	dma.local @!p0 [hbm:s6], $0xF7A  }
0x23: {  	s9 =	sor.u32 $0xD0000000, s2;
	s6 =	simm.s32 $0x108;
	_ =	swait.ge @!p0 [sflag:s8], $0x0  }
0x24: {  	s3 =	sadd.s32 $0x88, s3;
	s6 =	simm.s32 @!p1 $0x1082;
	[sflag:s4] =	ssyncset.s32 $0xFFFFF086  }
0x25: {  	[simem:s6], [sflag:s4] =	dma.local [hbm:s3], $0xF7A  }
0x26: {  	[smem:$0x3F91] =	sst s1;
	(tag) =	ssettag s2;
	_ =	strace s9  }
0x27: {  	s1 =	sld [smem:$0x3FA1]  }
0x28: {  	s2 =	sld [smem:$0x3FA2]  }
0x29: {  	s4 =	sld [smem:$0x3FA4]  }
0x2a: {  	p0 =	seq.s32 s5, $0x0;
	s5 =	sld [smem:$0x3FA5]  }
0x2b: {  	s6 =	sld [smem:$0x3FA6]  }
0x2c: {  	s7 =	sld [smem:$0x3FA7]  }
0x2d: {  	s3 =	simm.s32 $0x108;
	s8 =	sld [smem:$0x3FA8]  }
0x2e: {  	s3 =	simm.s32 @!p0 $0x1082;
	s9 =	sld [smem:$0x3FA9]  }
0x2f: {  	lr =	sadd.s32 s0, s3;
	s0 =	sld [smem:$0x3FA0]  }
0x30: {  	s3 =	sld [smem:$0x3FA3]  }
0x31: {  	[smem:$0x3FAC] =	sst s10  }
0x32: {  	s10 =	sld [smem:$0x3FAA];
	_ =	sdelay $0x3  }
0x33: {  	p0 =	seq.s32 s10, $0x1;
	s10 =	sld [smem:$0x3FAC];
	_ =	sdelay $0x3  }
0x34: {  	[smem:$0x3FAC] =	sst s10  }
0x35: {  	s10 =	sld [smem:$0x3FAB];
	_ =	sdelay $0x3  }
0x36: {  	p1 =	seq.s32 s10, $0x1;
	s10 =	sld [smem:$0x3FAC];
	_ =	sdelay $0x3  }
0x37: {  	[smem:$0x3FAC] =	sst s10  }
0x38: {  	s10 =	sld [smem:$0x3FAD]  }
0x39: {  	_ = 	snop;
	(pc) =	sbr.ind lr, $3  }
0x3a: {  	_ = 	snop  }
0x3b: {  	_ = 	snop  }
0x3c: {  	p2 =	seq.s32 s10, $0x1;
	s10 =	sld [smem:$0x3FAC]  }
0x3d: {  	_ =	shalt  }
0x3e: {  	_ =	shalt  }
0x3f: {  	_ =	shalt  }
0x40: {  	_ =	shalt  }
0x41: {  	_ =	shalt  }
0x42: {  	_ =	shalt  }
0x43: {  	_ =	shalt  }
0x44: {  	_ =	shalt  }
0x45: {  	_ =	shalt  }
0x46: {  	_ =	shalt  }
0x47: {  	_ =	shalt  }
0x48: {  	_ =	shalt  }
0x49: {  	_ =	shalt  }
0x4a: {  	_ =	shalt  }
0x4b: {  	_ =	shalt  }
0x4c: {  	_ =	shalt  }
0x4d: {  	_ =	shalt  }
0x4e: {  	_ =	shalt  }
0x4f: {  	_ =	shalt  }
0x50: {  	_ =	shalt  }
0x51: {  	_ =	shalt  }
0x52: {  	_ =	shalt  }
0x53: {  	_ =	shalt  }
0x54: {  	_ =	shalt  }
0x55: {  	_ =	shalt  }
0x56: {  	_ =	shalt  }
0x57: {  	_ =	shalt  }
0x58: {  	_ =	shalt  }
0x59: {  	_ =	shalt  }
0x5a: {  	_ =	shalt  }
0x5b: {  	_ =	shalt  }
0x5c: {  	_ =	shalt  }
0x5d: {  	_ =	shalt  }
0x5e: {  	_ =	shalt  }
0x5f: {  	_ =	shalt  }
0x60: {  	_ =	shalt  }
0x61: {  	_ =	shalt  }
0x62: {  	_ =	shalt  }
0x63: {  	_ =	shalt  }
0x64: {  	_ =	shalt  }
0x65: {  	_ =	shalt  }
0x66: {  	_ =	shalt  }
0x67: {  	_ =	shalt  }
0x68: {  	_ =	shalt  }
0x69: {  	_ =	shalt  }
0x6a: {  	_ =	shalt  }
0x6b: {  	_ =	shalt  }
0x6c: {  	_ =	shalt  }
0x6d: {  	_ =	shalt  }
0x6e: {  	_ =	shalt  }
0x6f: {  	_ =	shalt  }
0x70: {  	_ =	shalt  }
0x71: {  	_ =	shalt  }
0x72: {  	_ =	shalt  }
0x73: {  	_ =	shalt  }
0x74: {  	_ =	shalt  }
0x75: {  	_ =	shalt  }
0x76: {  	_ =	shalt  }
0x77: {  	_ =	shalt  }
0x78: {  	_ =	shalt  }
0x79: {  	_ =	shalt  }
0x7a: {  	_ =	shalt  }
0x7b: {  	_ =	shalt  }
0x7c: {  	_ =	shalt  }
0x7d: {  	_ =	shalt  }
0x7e: {  	_ =	shalt  }
0x7f: {  	_ =	shalt  }
0x80: {  	_ =	shalt  }
0x81: {  	_ =	shalt  }
0x82: {  	_ =	shalt  }
0x83: {  	_ =	shalt  }
0x84: {  	_ =	shalt  }
0x85: {  	_ =	shalt  }
0x86: {  	_ =	shalt  }
0x87: {  	_ =	shalt  }
.Lfunc_end0:
.L_simem_size_0:
called_computation_lowered:
.L_overlay_start_0:
0x88: {  	s2 =	sld [smem:$0x3FD9]  }
0x89: {  	s3 =	sld [smem:$0x3FFE];
	_ =	sdelay $0x1  }
0x8a: {  	s1 =	srdreg.scid  }
0x8b: {  	s0 =	sand.u32 $0x1, s1  }
0x8c: {  	s17 =	sshll.u32 s0, $0xA;
	s2 =	sadd.s32 s3, s2  }
0x8d: {  	s2 =	sadd.s32 s2, s17  }
0x8e: {  	[smem:$0x3FB8] =	sst s2  }
0x8f: {  	_ = 	snop  }
0x90: {  	s2 =	sld [smem:$0x3FC8]  }
0x91: {  	s18 =	sld [smem:$0x3FC7]  }
0x92: {  	s4 =	sld [smem:$0x3FD0];
	(tm) =	ssettm $0x1  }
0x93: {  	s5 =	sld [smem:$0x3FFB];
	_ =	sdelay $0x3  }
0x94: {  	_ =	strace s5  }
0x95: {  	s5 =	sld [smem:$0x3FFC];
	_ =	sdelay $0x3  }
0x96: {  	_ =	strace s5  }
0x97: {  	s5 =	sld [smem:$0x3FFD];
	_ =	sdelay $0x3  }
0x98: {  	_ =	strace s5  }
0x99: {  	_ =	strace $0x8FFFFFFF  }
0x9a: {  	s19 =	sld [smem:$0x3FDB];
	_ =	sdelay $0x1  }
0x9b: {  	s6 =	simm.s32 $_scs_section_size  }
0x9c: {  	s7 =	simm.s32 $_size__tile_overlayer_lowered;
	s8 =	simm.s32 $_tile_overlayer_lowered  }
0x9d: {  	s22 =	simm.s32 $0x1BFF;
	s21 =	sshll.u32 s8, $0x1;
	s5 =	sadd.s32 s6, s19  }
0x9e: {  	s9 =	simm.s32 $0x0;
	s20 =	sshll.u32 s7, $0x1;
	s7 =	sadd.s32 s21, s5  }
0x9f: {  	[timem:s9], [sflag:s22] =	dma.local [hbm:s7], s20  }
0xa0: {  	_ =	swait.ge [sflag:s22], s20  }
0xa1: {  	s6 =	ssub.s32 $0x0, s20;
	[sflag:s22] =	ssyncset.done $0x0  }
0xa2: {  	[sflag:s22] =	ssyncadd.s32 s6;
	_ =	sdelay $0x1  }
0xa3: {  	s23 =	simm.s32 $0x1B8B  }
0xa4: {  	_ =	swait.ge [sflag:s23], $0x1  }
0xa5: {  	[sflag:s23] =	ssyncset.done $0x0  }
0xa6: {  	s25 =	simm.s32 $0x1B8E;
	s24 =	sld [smem:$0x3FFE];
	[sflag:s23] =	ssyncadd.s32 $0xFFFFFFFF  }
0xa7: {  	s26 =	simm.s32 $execute0_lowered;
	[smem:$0x3FD2] =	sst s25  }
0xa8: {  	s7 =	sshll.u32 s26, $0x1;
	_ =	strace $0x80000046;
	[dreg:$0x1] =	wrdreg $0xFFFFFFFF  }
0xa9: {  	s28 =	simm.s32 $_size_execute0_lowered;
	s5 =	sadd.s32 s5, s7;
	[dreg:$0x0] =	wrdreg $0x0  }
0xaa: {  	s7 =	sshll.u32 s28, $0x1;
	[dreg:$0x2] =	wrdreg s5  }
0xab: {  	[dreg:$0x3] =	wrdreg s7  }
0xac: {  	[dreg:$0x4] =	wrdreg $0xC0  }
0xad: {  	_ =	task [dreg:s9], $0x5FFFF  }
0xae: {  	[dreg:$0x1] =	wrdreg $0xFFFFFFFF  }
0xaf: {  	[dreg:$0x0] =	wrdreg $0x60  }
0xb0: {  	[dreg:$0x2] =	wrdreg s18  }
0xb1: {  	[dreg:$0x3] =	wrdreg s2  }
0xb2: {  	[dreg:$0x4] =	wrdreg s24  }
0xb3: {  	[dreg:$0x5] =	wrdreg s4  }
0xb4: {  	[dreg:$0x6] =	wrdreg $0x9  }
0xb5: {  	_ =	task.clear_ibuf [dreg:s9], $0x7FFFF;
	_ =	strace $0x90000046  }
0xb6: {  	s29 =	simm.s32 $0x9;
	_ =	strace $0x80000048  }
0xb7: {  	_ =	swait.ge [sflag:s29], $0x1  }
0xb8: {  	[sflag:s29] =	ssyncadd.s32 $0xFFFFFFFF  }
0xb9: {  	_ =	strace $0x90000048  }
0xba: {  	_ =	sfence  }
0xbb: {  	s30 =	sld [smem:$0x0];
	_ =	sdelay $0x2  }
0xbc: {  	s31 =	sshll.u32 s1, $0xD;
	s1 =	sshrl.u32 s1, $0x2  }
0xbd: {  	s3 =	sand.u32 $0x4000, s31;
	s1 =	sadd.s32 s1, s30  }
0xbe: {  	s0 =	sor.u32 s3, s0;
	s1 =	sshll.u32 s1, $0x11  }
0xbf: {  	s0 =	sor.u32 s1, s0  }
0xc0: {  	s0 =	sadd.s32 $0x8F2B, s0  }
0xc1: {  	[sflag:s0] =	ssyncadd.remote.s32 $0x1  }
0xc2: {  	_ =	sfence.sel $0xFFFF  }
0xc3: {  	[dreg:$0x0] =	wrdreg $0xFFFFFFFF;
	(pc) =	sbr.abs _section_cstart, $3  }
0xc4: {  	[dreg:$0x1] =	wrdreg $0xFFFFFFFF  }
0xc5: {  	_ =	task.clear_ibuf [dreg:s9], $0x2FFFF;
	_ =	strace $0x9FFFFFFF  }
0xc6: {  	(tm) =	ssettm $0x7FFFFFFF  }
0xc7: {  	_ =	shalt  }
tec
execute0_lowered:
.L_overlay_start_1:
0x0: {  	(tag) =	ssettag $0x1  }
0x1: {  	s1 =	rddreg [dreg:$0x0]  }
0x2: {  	s2 =	rddreg [dreg:$0x1]  }
0x3: {  	s5 =	rddreg [dreg:$0x2]  }
0x4: {  	s7 =	rddreg [dreg:$0x3];
	s3 =	srdreg.scid  }
0x5: {  	s0 =	rddreg [dreg:$0x4];
	s4 =	simm.s32 $0x0;
	s8 =	sand.u32 $0x1, s3  }
0x6: {  	[smem:$0x7FF] =	sst s4;
	s3 =	stileid.u32;
	s6 =	ssub.s32 $0x2, s8  }
0x7: {  	_ =	strace $0x80000047;
	s9 =	sshll.u32 s3, $0x5;
	s30 =	sshll.u32 s3, $0xC  }
0x8: {  	s31 =	sshll.u32 s8, $0x4;
	s8 =	sshll.u32 s8, $0xB;
	s10 =	sshrl.u32 s6, $0x1  }
0x9: {  	s11 =	sadd.s32 s9, s5;
	s7 =	sadd.s32 s9, s7;
	s6 =	ssub.s32 s6, s10  }
0xa: {  	s10 =	sadd.s32 s30, s5;
	s5 =	sshll.u32 s3, $0x1;
	s7 =	sadd.s32 s31, s7  }
0xb: {  	s9 =	sadd.s32 s31, s11;
	s6 =	smax.u32 s6, $0x1;
	s10 =	sadd.s32 s8, s10  }
0xc: {  	s8 =	sadd.s32 $0x2400, s9;
	s9 =	sadd.s32 $0x4EE200, s10;
	s10 =	sadd.s32 $0xC200, s10  }
.LBB2_1:
0xd: {  	p0 =	sgt.u32 s5, $0x9C3  }
0xe: {  	s11 =	sadd.s32 @!p0 $0x0, s8;
	s12 =	simm.s32 @!p0 $0x0;
	s13 =	simm.s32 @!p0 $0x4  }
0xf: {  	[tilespmem:s12], [sflag:$0x4] =	stream.linear.gather @!p0 [hbm4b:s11+s12], $0x80, $0x38;
	[tilespmem:$0x8100] =	vst v63  }
0x10: {  	_ =	swait.ge @!p0 [sflag:s13], $0x80;
	p0 =	por p0, p0  }
0x11: {  	[sflag:s13] =	ssyncset.done @!p0 $0x0  }
0x12: {  	s11 =	sadd.s32 @!p0 $0x0, s7;
	s14 =	simm.s32 @!p0 $0x80;
	[sflag:s13] =	ssyncadd.s32 @!p0 $0xFFFFFF80  }
0x13: {  	[tilespmem:s14], [sflag:$0x4] =	stream.linear.gather @!p0 [hbm4b:s11+s12], $0x80, $0x38;
	[tilespmem:$0x8100] =	vst v63  }
0x14: {  	_ =	swait.ge @!p0 [sflag:s13], $0x80  }
0x15: {  	[sflag:s13] =	ssyncset.done @!p0 $0x0  }
0x16: {  	s11 =	simm.s32 @!p0 $0x100;
	[sflag:s13] =	ssyncadd.s32 @!p0 $0xFFFFFF80  }
0x17: {  	[tilespmem:s11], [sflag:$0x1] =	stream.indirect.gather @!p0 [hbm4b:s1+s14], $0x80, s12, s14, $0xb8;
	[tilespmem:$0x8100] =	vst v63  }
0x18: {  	s15 =	simm.s32 @!p0 $0x4100;
	s16 =	simm.s32 @!p0 $0x1  }
0x19: {  	[tilespmem:s15], [sflag:$0x2] =	stream.indirect.gather @!p0 [hbm4b:s2+s14], $0x80, s14, s14, $0xb8;
	[tilespmem:$0x8100] =	vst v63  }
0x1a: {  	_ =	swait.ge @!p0 [sflag:s16], $0x4000  }
0x1b: {  	[sflag:s16] =	ssyncset.done @!p0 $0x0  }
0x1c: {  	[sflag:s16] =	ssyncadd.s32 @!p0 $0xFFFFC000  }
0x1d: {  	[hbm4b:s10+s12] =	stream.linear.scatter @!p0 [tilespmem:s11], [sflag:$0x4], $0x4000, $0x38;
	[tilespmem:$0x8100] =	vst v63  }
0x1e: {  	_ =	swait.ge @!p0 [sflag:s13], $0x4000  }
0x1f: {  	[sflag:s13] =	ssyncset.done @!p0 $0x0  }
0x20: {  	s11 =	simm.s32 @!p0 $0x2;
	[sflag:s13] =	ssyncadd.s32 @!p0 $0xFFFFC000  }
0x21: {  	_ =	swait.ge @!p0 [sflag:s11], $0x4000  }
0x22: {  	[sflag:s11] =	ssyncset.done @!p0 $0x0  }
0x23: {  	s14 =	simm.s32 $0x400;
	s16 =	simm.s32 @!p0 $0x3;
	[sflag:s11] =	ssyncadd.s32 @!p0 $0xFFFFC000  }
0x24: {  	[hbm4b:s9+s12] =	stream.linear.scatter @!p0 [tilespmem:s15], [sflag:$0x3], $0x4000, $0x38;
	[tilespmem:$0x8100] =	vst v63  }
0x25: {  	s13 =	simm.s32 $0x200;
	s11 =	sadd.s32 $0x10000, s9;
	s15 =	sadd.s32 $0x20, s5  }
0x26: {  	s12 =	sadd.s32 $0x10000, s10;
	p2 =	sgt.u32 s15, $0x9C3;
	_ =	swait.ge @!p0 [sflag:s16], $0x4000  }
.LBB2_2:
0x27: {  	s17 =	sadd.s32 @!p2 s13, s8  }
0x28: {  	s18 =	simm.s32 @!p2 $0x0;
	[sflag:s16] =	ssyncset.done @!p0 $0x0;
	s19 =	smov.u32 s14  }
0x29: {  	s14 =	sadd.s32 $0x200, s14;
	s20 =	simm.s32 @!p2 $0x4;
	[sflag:s16] =	ssyncadd.s32 @!p0 $0xFFFFC000  }
0x2a: {  	[tilespmem:s18], [sflag:$0x4] =	stream.linear.gather @!p2 [hbm4b:s17+s18], $0x80, $0x38;
	[tilespmem:$0x8100] =	vst v63  }
0x2b: {  	p1 =	sne.s32 s14, $0x9E00;
	p0 =	por p2, p2;
	_ =	swait.ge @!p2 [sflag:s20], $0x80  }
0x2c: {  	[sflag:s20] =	ssyncset.done @!p0 $0x0  }
0x2d: {  	s13 =	sadd.s32 @!p0 s13, s7;
	s16 =	simm.s32 @!p0 $0x80;
	[sflag:s20] =	ssyncadd.s32 @!p0 $0xFFFFFF80  }
0x2e: {  	[tilespmem:s16], [sflag:$0x4] =	stream.linear.gather @!p0 [hbm4b:s13+s18], $0x80, $0x38;
	[tilespmem:$0x8100] =	vst v63  }
0x2f: {  	s13 =	smov.u32 s19;
	_ =	swait.ge @!p0 [sflag:s20], $0x80  }
0x30: {  	[sflag:s20] =	ssyncset.done @!p0 $0x0  }
0x31: {  	s17 =	simm.s32 @!p0 $0x100;
	[sflag:s20] =	ssyncadd.s32 @!p0 $0xFFFFFF80  }
0x32: {  	[tilespmem:s17], [sflag:$0x1] =	stream.indirect.gather @!p0 [hbm4b:s1+s16], $0x80, s18, s16, $0xb8;
	[tilespmem:$0x8100] =	vst v63  }
0x33: {  	s21 =	simm.s32 @!p0 $0x1;
	s19 =	simm.s32 @!p0 $0x4100  }
0x34: {  	[tilespmem:s19], [sflag:$0x2] =	stream.indirect.gather @!p0 [hbm4b:s2+s16], $0x80, s16, s16, $0xb8;
	[tilespmem:$0x8100] =	vst v63  }
0x35: {  	_ =	swait.ge @!p0 [sflag:s21], $0x4000  }
0x36: {  	[sflag:s21] =	ssyncset.done @!p0 $0x0  }
0x37: {  	[sflag:s21] =	ssyncadd.s32 @!p0 $0xFFFFC000  }
0x38: {  	[hbm4b:s12+s18] =	stream.linear.scatter @!p0 [tilespmem:s17], [sflag:$0x4], $0x4000, $0x38;
	[tilespmem:$0x8100] =	vst v63  }
0x39: {  	_ =	swait.ge @!p0 [sflag:s20], $0x4000  }
0x3a: {  	[sflag:s20] =	ssyncset.done @!p0 $0x0  }
0x3b: {  	s16 =	simm.s32 @!p0 $0x2;
	[sflag:s20] =	ssyncadd.s32 @!p0 $0xFFFFC000  }
.Ltmp0:
0x3c: {  	_ =	swait.ge @!p0 [sflag:s16], $0x4000;
	(pc) =	sbr.rel @p1 .LBB2_2-.Ltmp0, $4  }
0x3d: {  	s12 =	sadd.s32 $0x10000, s12;
	[sflag:s16] =	ssyncset.done @!p0 $0x0  }
0x3e: {  	s15 =	sadd.s32 $0x20, s15;
	[sflag:s16] =	ssyncadd.s32 @!p0 $0xFFFFC000;
	s16 =	simm.s32 @!p0 $0x3  }
0x3f: {  	[hbm4b:s11+s18] =	stream.linear.scatter @!p0 [tilespmem:s19], [sflag:$0x3], $0x4000, $0x38;
	[tilespmem:$0x8100] =	vst v63  }
0x40: {  	p2 =	sgt.u32 s15, $0x9C3;
	s11 =	sadd.s32 $0x10000, s11;
	_ =	swait.ge @!p0 [sflag:s16], $0x4000  }
0x41: {  	s14 =	sadd.s32 @!p2 s13, s8;
	[sflag:s16] =	ssyncset.done @!p0 $0x0  }
0x42: {  	s15 =	simm.s32 @!p2 $0x0;
	s17 =	simm.s32 @!p2 $0x4;
	[sflag:s16] =	ssyncadd.s32 @!p0 $0xFFFFC000  }
0x43: {  	[tilespmem:s15], [sflag:$0x4] =	stream.linear.gather @!p2 [hbm4b:s14+s15], $0x80, $0x38;
	[tilespmem:$0x8100] =	vst v63  }
0x44: {  	p0 =	por p2, p2;
	_ =	swait.ge @!p2 [sflag:s17], $0x80  }
0x45: {  	[sflag:s17] =	ssyncset.done @!p0 $0x0  }
0x46: {  	s13 =	sadd.s32 @!p0 s13, s7;
	s14 =	simm.s32 @!p0 $0x80;
	[sflag:s17] =	ssyncadd.s32 @!p0 $0xFFFFFF80  }
0x47: {  	[tilespmem:s14], [sflag:$0x4] =	stream.linear.gather @!p0 [hbm4b:s13+s15], $0x80, $0x38;
	[tilespmem:$0x8100] =	vst v63  }
0x48: {  	_ =	swait.ge @!p0 [sflag:s17], $0x80  }
0x49: {  	[sflag:s17] =	ssyncset.done @!p0 $0x0  }
0x4a: {  	s13 =	simm.s32 @!p0 $0x100;
	[sflag:s17] =	ssyncadd.s32 @!p0 $0xFFFFFF80  }
0x4b: {  	[tilespmem:s13], [sflag:$0x1] =	stream.indirect.gather @!p0 [hbm4b:s1+s14], $0x80, s15, s14, $0xb8;
	[tilespmem:$0x8100] =	vst v63  }
0x4c: {  	s16 =	simm.s32 @!p0 $0x4100;
	s18 =	simm.s32 @!p0 $0x1  }
0x4d: {  	[tilespmem:s16], [sflag:$0x2] =	stream.indirect.gather @!p0 [hbm4b:s2+s14], $0x80, s14, s14, $0xb8;
	[tilespmem:$0x8100] =	vst v63  }
0x4e: {  	_ =	swait.ge @!p0 [sflag:s18], $0x4000  }
0x4f: {  	[sflag:s18] =	ssyncset.done @!p0 $0x0  }
0x50: {  	[sflag:s18] =	ssyncadd.s32 @!p0 $0xFFFFC000  }
0x51: {  	[hbm4b:s12+s15] =	stream.linear.scatter @!p0 [tilespmem:s13], [sflag:$0x4], $0x4000, $0x38;
	[tilespmem:$0x8100] =	vst v63  }
0x52: {  	_ =	swait.ge @!p0 [sflag:s17], $0x4000  }
0x53: {  	[sflag:s17] =	ssyncset.done @!p0 $0x0  }
0x54: {  	s12 =	simm.s32 @!p0 $0x2;
	[sflag:s17] =	ssyncadd.s32 @!p0 $0xFFFFC000  }
0x55: {  	s4 =	sadd.s32 $0x1, s4;
	_ =	swait.ge @!p0 [sflag:s12], $0x4000  }
0x56: {  	p1 =	sne.s32 s4, s6;
	[sflag:s12] =	ssyncset.done @!p0 $0x0  }
.Ltmp1:
0x57: {  	[sflag:s12] =	ssyncadd.s32 @!p0 $0xFFFFC000;
	s12 =	simm.s32 @!p0 $0x3;
	(pc) =	sbr.rel @p1 .LBB2_1-.Ltmp1, $4  }
0x58: {  	[hbm4b:s11+s15] =	stream.linear.scatter @!p0 [tilespmem:s16], [sflag:$0x3], $0x4000, $0x38;
	[tilespmem:$0x8100] =	vst v63  }
0x59: {  	_ =	swait.ge @!p0 [sflag:s12], $0x4000  }
0x5a: {  	[sflag:s12] =	ssyncset.done @!p0 $0x0  }
0x5b: {  	[sflag:s12] =	ssyncadd.s32 @!p0 $0xFFFFC000  }
0x5c: {  	_ =	sfence.sel $0x180000  }
0x5d: {  	[bflag:$0x0] =	sbarrier.arrive $0xFFFF  }
0x5e: {  	p0 =	sne.s32 s3, $0x0;
	_ =	strace $0x90000047  }
0x5f: {  	s0 =	sadd.s32 @!p0 $0x100000, s0;
	[bflag:$0x2] =	sbarrier.arrive $0xFFFF  }
0x60: {  	[sflag:s0] =	ssyncadd.tile.s32 @!p0 $0x1;
	_ =	shalt  }
.Lfunc_end2:
_tile_overlayer_lowered:
.L_overlay_start_2:
0x61: {  	(tag) =	ssettag $0x2  }
0x62: {  	s0 =	rddreg [dreg:$0x0];
	s2 =	stileid.u32  }
0x63: {  	s1 =	rddreg [dreg:$0x1];
	p0 =	sne.s32 s2, $0x0  }
0x64: {  	s3 =	rddreg [dreg:$0x2];
	[bflag:$0x3] =	sbarrier.arrive $0xFFFF;
	s2 =	simm.s32 @!p0 $0x1C03  }
0x65: {  	[timem:s3], [sflag:s2] =	dma.local @!p0 [hbm:s0], s1  }
0x66: {  	s0 =	simm.s32 @!p0 $0x3  }
0x67: {  	_ =	swait.ge @!p0 [sflag:s0], s1  }
0x68: {  	s1 =	ssub.s32 @!p0 $0x0, s1;
	[sflag:s0] =	ssyncset.done @!p0 $0x0  }
0x69: {  	[sflag:s0] =	ssyncadd.s32 @!p0 s1  }
0x6a: {  	[bflag:$0x3] =	sbarrier.arrive $0xFFFF  }
0x6b: {  	_ =	shalt  }

// kernel: kernel.9.cloned.1.call-start
scs
__scs_entry_jumppad:
0x0: {  	(pc) =	sbr.rel $0x88, $3  }
0x1: {  	(tag) =	ssettag $0x0;
	lr =	simm.s32 $0x1  }
0x2: {  	[smem:$0x3F91] =	sst lr;
	_ =	strace $0xD0000000  }
0x3: {  	_ = 	snop  }
0x4: {  	_ = 	snop  }
0x5: {  	_ = 	snop  }
0x6: {  	_ = 	snop  }
0x7: {  	_ = 	snop  }
__scs_overlays_trampoline_lowered:
0x8: {  	[smem:$0x3FA0] =	sst s0  }
0x9: {  	[smem:$0x3FA1] =	sst s1  }
0xa: {  	[smem:$0x3FA2] =	sst s2  }
0xb: {  	[smem:$0x3FA3] =	sst s3  }
0xc: {  	[smem:$0x3FA4] =	sst s4  }
0xd: {  	[smem:$0x3FA5] =	sst s5  }
0xe: {  	[smem:$0x3FA6] =	sst s6  }
0xf: {  	[smem:$0x3FA7] =	sst s7  }
0x10: {  	[smem:$0x3FA8] =	sst s8  }
0x11: {  	[smem:$0x3FA9] =	sst s9;
	s0 =	simm.s32 @!p0 $0x0  }
0x12: {  	s1 =	sld [smem:$0x3F8F];
	s0 =	simm.s32 @p0 $0x1  }
0x13: {  	[smem:$0x3FAA] =	sst s0;
	s0 =	simm.s32 @!p1 $0x0  }
0x14: {  	s2 =	sld [smem:$0x3F8E];
	s0 =	simm.s32 @p1 $0x1  }
0x15: {  	[smem:$0x3FAB] =	sst s0;
	s0 =	simm.s32 @!p2 $0x0  }
0x16: {  	s3 =	sld [smem:$0x3FDB];
	s0 =	simm.s32 @p2 $0x1  }
0x17: {  	s4 =	simm.s32 $0x1BF5;
	[smem:$0x3FAD] =	sst s0  }
0x18: {  	s0 =	sld [smem:$0x3F90];
	_ =	swait.ge [sflag:s4], $0x0  }
0x19: {  	s7 =	sld [smem:$0x3F91]  }
0x1a: {  	s8 =	sadd.s32 $0xFFFFE003, lr  }
0x1b: {  	s9 =	sadd.s32 $0xFFFFFEF7, lr;
	s5 =	simm.s32 $0xFFFFFFFF;
	p2 =	slt.u32 s8, $0xFFFFF086  }
0x1c: {  	p1 =	slt.u32 s9, $0xF7A;
	s5 =	simm.s32 @!p2 $0x0  }
0x1d: {  	s5 =	simm.s32 @p1 $0x1;
	p0 =	seq.s32 s7, s2  }
0x1e: {  	s7 =	smul.u32 @!p0 $0xF7A, s2;
	p2 =	seq.s32 @!p0 s5, $0x0  }
0x1f: {  	s9 =	smul.u32 $0xF7A, s1;
	s8 =	simm.s32 @!p0 $0x1BF5;
	p2 =	por !p2, p0  }
0x20: {  	[sflag:s8] =	ssyncset.s32 @!p0 $0xFFFFF086;
	s6 =	sadd.s32 @!p0 s3, s7;
	s7 =	simm.s32 @!p0 $0x108  }
0x21: {  	s3 =	sadd.s32 s3, s9;
	s6 =	sadd.s32 @!p0 $0x88, s6;
	s7 =	simm.s32 @p2 $0x1082  }
0x22: {  	[simem:s7], [sflag:s8] =	dma.local @!p0 [hbm:s6], $0xF7A  }
0x23: {  	s9 =	sor.u32 $0xD0000000, s2;
	s6 =	simm.s32 $0x108;
	_ =	swait.ge @!p0 [sflag:s8], $0x0  }
0x24: {  	s3 =	sadd.s32 $0x88, s3;
	s6 =	simm.s32 @!p1 $0x1082;
	[sflag:s4] =	ssyncset.s32 $0xFFFFF086  }
0x25: {  	[simem:s6], [sflag:s4] =	dma.local [hbm:s3], $0xF7A  }
0x26: {  	[smem:$0x3F91] =	sst s1;
	(tag) =	ssettag s2;
	_ =	strace s9  }
0x27: {  	s1 =	sld [smem:$0x3FA1]  }
0x28: {  	s2 =	sld [smem:$0x3FA2]  }
0x29: {  	s4 =	sld [smem:$0x3FA4]  }
0x2a: {  	p0 =	seq.s32 s5, $0x0;
	s5 =	sld [smem:$0x3FA5]  }
0x2b: {  	s6 =	sld [smem:$0x3FA6]  }
0x2c: {  	s7 =	sld [smem:$0x3FA7]  }
0x2d: {  	s3 =	simm.s32 $0x108;
	s8 =	sld [smem:$0x3FA8]  }
0x2e: {  	s3 =	simm.s32 @!p0 $0x1082;
	s9 =	sld [smem:$0x3FA9]  }
0x2f: {  	lr =	sadd.s32 s0, s3;
	s0 =	sld [smem:$0x3FA0]  }
0x30: {  	s3 =	sld [smem:$0x3FA3]  }
0x31: {  	[smem:$0x3FAC] =	sst s10  }
0x32: {  	s10 =	sld [smem:$0x3FAA];
	_ =	sdelay $0x3  }
0x33: {  	p0 =	seq.s32 s10, $0x1;
	s10 =	sld [smem:$0x3FAC];
	_ =	sdelay $0x3  }
0x34: {  	[smem:$0x3FAC] =	sst s10  }
0x35: {  	s10 =	sld [smem:$0x3FAB];
	_ =	sdelay $0x3  }
0x36: {  	p1 =	seq.s32 s10, $0x1;
	s10 =	sld [smem:$0x3FAC];
	_ =	sdelay $0x3  }
0x37: {  	[smem:$0x3FAC] =	sst s10  }
0x38: {  	s10 =	sld [smem:$0x3FAD]  }
0x39: {  	_ = 	snop;
	(pc) =	sbr.ind lr, $3  }
0x3a: {  	_ = 	snop  }
0x3b: {  	_ = 	snop  }
0x3c: {  	p2 =	seq.s32 s10, $0x1;
	s10 =	sld [smem:$0x3FAC]  }
0x3d: {  	_ =	shalt  }
0x3e: {  	_ =	shalt  }
0x3f: {  	_ =	shalt  }
0x40: {  	_ =	shalt  }
0x41: {  	_ =	shalt  }
0x42: {  	_ =	shalt  }
0x43: {  	_ =	shalt  }
0x44: {  	_ =	shalt  }
0x45: {  	_ =	shalt  }
0x46: {  	_ =	shalt  }
0x47: {  	_ =	shalt  }
0x48: {  	_ =	shalt  }
0x49: {  	_ =	shalt  }
0x4a: {  	_ =	shalt  }
0x4b: {  	_ =	shalt  }
0x4c: {  	_ =	shalt  }
0x4d: {  	_ =	shalt  }
0x4e: {  	_ =	shalt  }
0x4f: {  	_ =	shalt  }
0x50: {  	_ =	shalt  }
0x51: {  	_ =	shalt  }
0x52: {  	_ =	shalt  }
0x53: {  	_ =	shalt  }
0x54: {  	_ =	shalt  }
0x55: {  	_ =	shalt  }
0x56: {  	_ =	shalt  }
0x57: {  	_ =	shalt  }
0x58: {  	_ =	shalt  }
0x59: {  	_ =	shalt  }
0x5a: {  	_ =	shalt  }
0x5b: {  	_ =	shalt  }
0x5c: {  	_ =	shalt  }
0x5d: {  	_ =	shalt  }
0x5e: {  	_ =	shalt  }
0x5f: {  	_ =	shalt  }
0x60: {  	_ =	shalt  }
0x61: {  	_ =	shalt  }
0x62: {  	_ =	shalt  }
0x63: {  	_ =	shalt  }
0x64: {  	_ =	shalt  }
0x65: {  	_ =	shalt  }
0x66: {  	_ =	shalt  }
0x67: {  	_ =	shalt  }
0x68: {  	_ =	shalt  }
0x69: {  	_ =	shalt  }
0x6a: {  	_ =	shalt  }
0x6b: {  	_ =	shalt  }
0x6c: {  	_ =	shalt  }
0x6d: {  	_ =	shalt  }
0x6e: {  	_ =	shalt  }
0x6f: {  	_ =	shalt  }
0x70: {  	_ =	shalt  }
0x71: {  	_ =	shalt  }
0x72: {  	_ =	shalt  }
0x73: {  	_ =	shalt  }
0x74: {  	_ =	shalt  }
0x75: {  	_ =	shalt  }
0x76: {  	_ =	shalt  }
0x77: {  	_ =	shalt  }
0x78: {  	_ =	shalt  }
0x79: {  	_ =	shalt  }
0x7a: {  	_ =	shalt  }
0x7b: {  	_ =	shalt  }
0x7c: {  	_ =	shalt  }
0x7d: {  	_ =	shalt  }
0x7e: {  	_ =	shalt  }
0x7f: {  	_ =	shalt  }
0x80: {  	_ =	shalt  }
0x81: {  	_ =	shalt  }
0x82: {  	_ =	shalt  }
0x83: {  	_ =	shalt  }
0x84: {  	_ =	shalt  }
0x85: {  	_ =	shalt  }
0x86: {  	_ =	shalt  }
0x87: {  	_ =	shalt  }
.Lfunc_end0:
.L_simem_size_0:
called_computation.1_lowered:
.L_overlay_start_0:
0x88: {  	s2 =	sld [smem:$0x3FD9]  }
0x89: {  	s3 =	sld [smem:$0x3FFE];
	_ =	sdelay $0x1  }
0x8a: {  	s1 =	srdreg.scid  }
0x8b: {  	s0 =	sand.u32 $0x1, s1  }
0x8c: {  	s17 =	sshll.u32 s0, $0xA;
	s2 =	sadd.s32 s3, s2  }
0x8d: {  	s2 =	sadd.s32 s2, s17  }
0x8e: {  	[smem:$0x3FB8] =	sst s2  }
0x8f: {  	_ = 	snop  }
0x90: {  	s2 =	sld [smem:$0x3FD0];
	(tm) =	ssettm $0x1  }
0x91: {  	s18 =	sld [smem:$0x3FFB];
	_ =	sdelay $0x3  }
0x92: {  	_ =	strace s18  }
0x93: {  	s3 =	sld [smem:$0x3FFC];
	_ =	sdelay $0x3  }
0x94: {  	_ =	strace s3  }
0x95: {  	s3 =	sld [smem:$0x3FFD];
	_ =	sdelay $0x3  }
0x96: {  	_ =	strace s3  }
0x97: {  	_ =	strace $0x8FFFFFFF  }
0x98: {  	s19 =	sld [smem:$0x3FDB];
	_ =	sdelay $0x1  }
0x99: {  	s4 =	simm.s32 $_scs_section_size  }
0x9a: {  	s5 =	simm.s32 $_size__tile_overlayer_lowered;
	s6 =	simm.s32 $_tile_overlayer_lowered  }
0x9b: {  	s22 =	simm.s32 $0x1BFF;
	s21 =	sshll.u32 s6, $0x1;
	s3 =	sadd.s32 s4, s19  }
0x9c: {  	s7 =	simm.s32 $0x0;
	s20 =	sshll.u32 s5, $0x1;
	s5 =	sadd.s32 s21, s3  }
0x9d: {  	[timem:s7], [sflag:s22] =	dma.local [hbm:s5], s20  }
0x9e: {  	_ =	swait.ge [sflag:s22], s20  }
0x9f: {  	s4 =	ssub.s32 $0x0, s20;
	[sflag:s22] =	ssyncset.done $0x0  }
0xa0: {  	[sflag:s22] =	ssyncadd.s32 s4;
	_ =	sdelay $0x1  }
0xa1: {  	s23 =	simm.s32 $0x1B8B  }
0xa2: {  	_ =	swait.ge [sflag:s23], $0x1  }
0xa3: {  	[sflag:s23] =	ssyncset.done $0x0  }
0xa4: {  	s25 =	simm.s32 $0x1B8E;
	s24 =	sld [smem:$0x3FFE];
	[sflag:s23] =	ssyncadd.s32 $0xFFFFFFFF  }
0xa5: {  	s26 =	simm.s32 $execute0_lowered;
	[smem:$0x3FD2] =	sst s25  }
0xa6: {  	s5 =	sshll.u32 s26, $0x1;
	_ =	strace $0x80000049;
	[dreg:$0x1] =	wrdreg $0xFFFFFFFF  }
0xa7: {  	s28 =	simm.s32 $_size_execute0_lowered;
	s3 =	sadd.s32 s3, s5;
	[dreg:$0x0] =	wrdreg $0x0  }
0xa8: {  	s5 =	sshll.u32 s28, $0x1;
	[dreg:$0x2] =	wrdreg s3  }
0xa9: {  	[dreg:$0x3] =	wrdreg s5  }
0xaa: {  	[dreg:$0x4] =	wrdreg $0xC0  }
0xab: {  	_ =	task [dreg:s7], $0x5FFFF  }
0xac: {  	[dreg:$0x1] =	wrdreg $0xFFFFFFFF  }
0xad: {  	[dreg:$0x0] =	wrdreg $0x60  }
0xae: {  	[dreg:$0x2] =	wrdreg s24  }
0xaf: {  	[dreg:$0x3] =	wrdreg s2  }
0xb0: {  	[dreg:$0x4] =	wrdreg $0x40800  }
0xb1: {  	[dreg:$0x5] =	wrdreg $0x9  }
0xb2: {  	_ =	task.clear_ibuf [dreg:s7], $0x6FFFF;
	_ =	strace $0x90000049  }
0xb3: {  	s29 =	simm.s32 $0x9;
	_ =	strace $0x8000004B  }
0xb4: {  	_ =	swait.ge [sflag:s29], $0x1  }
0xb5: {  	[sflag:s29] =	ssyncadd.s32 $0xFFFFFFFF  }
0xb6: {  	_ =	strace $0x9000004B  }
0xb7: {  	_ =	sfence  }
0xb8: {  	s30 =	sld [smem:$0x0];
	_ =	sdelay $0x2  }
0xb9: {  	s31 =	sshll.u32 s1, $0xD;
	s1 =	sshrl.u32 s1, $0x2  }
0xba: {  	s3 =	sand.u32 $0x4000, s31;
	s1 =	sadd.s32 s1, s30  }
0xbb: {  	s0 =	sor.u32 s3, s0;
	s1 =	sshll.u32 s1, $0x11  }
0xbc: {  	s0 =	sor.u32 s1, s0  }
0xbd: {  	s0 =	sadd.s32 $0x8F2B, s0  }
0xbe: {  	[sflag:s0] =	ssyncadd.remote.s32 $0x1  }
0xbf: {  	_ =	sfence.sel $0xFFFF  }
0xc0: {  	[dreg:$0x0] =	wrdreg $0xFFFFFFFF;
	(pc) =	sbr.abs _section_cstart, $3  }
0xc1: {  	[dreg:$0x1] =	wrdreg $0xFFFFFFFF  }
0xc2: {  	_ =	task.clear_ibuf [dreg:s7], $0x2FFFF;
	_ =	strace $0x9FFFFFFF  }
0xc3: {  	(tm) =	ssettm $0x7FFFFFFF  }
tec
execute0_lowered:
.L_overlay_start_1:
0x0: {  	(tag) =	ssettag $0x1  }
0x1: {  	s4 =	rddreg [dreg:$0x0]  }
0x2: {  	s18 =	rddreg [dreg:$0x1]  }
0x3: {  	s1 =	rddreg [dreg:$0x2]  }
0x4: {  	s0 =	rddreg [dreg:$0x3]  }
0x5: {  	s3 =	simm.s32 $0x0;
	s5 =	srdreg.scid;
	s2 =	stileid.u32  }
0x6: {  	[smem:$0x7FF] =	sst s3;
	s19 =	sand.u32 $0x1, s5;
	s21 =	sshll.u32 s2, $0xC  }
0x7: {  	s17 =	sadd.s32 $0x2400, s4;
	s5 =	sadd.s32 $0x138000, s1;
	s12 =	sshll.u32 s2, $0xE  }
0x8: {  	s31 =	sshll.u32 s2, $0x5;
	_ =	strace $0x8000004A;
	s6 =	ssub.s32 $0x2, s19  }
0x9: {  	s16 =	smul.u32 $0x138800, s19;
	s20 =	sadd.s32 s21, s4;
	s4 =	sshll.u32 s2, $0x1  }
0xa: {  	s13 =	sor.u32 $0x40000, s12;
	s8 =	sadd.s32 s12, s1;
	s14 =	sor.u32 $0x80000, s12  }
0xb: {  	s15 =	sor.u32 $0xC0000, s12;
	s21 =	sor.u32 $0x40, s2;
	s30 =	sshll.u32 s19, $0xB  }
0xc: {  	s19 =	sshll.u32 s19, $0x4;
	s22 =	sshrl.u32 s6, $0x1;
	s9 =	sadd.s32 s13, s1  }
0xd: {  	s10 =	sadd.s32 s14, s1;
	s11 =	sadd.s32 s15, s1;
	s20 =	sadd.s32 s30, s20  }
0xe: {  	p0 =	sgt.u32 s21, $0x4D;
	s7 =	ssub.s32 s6, s22;
	s23 =	sshrl.u32 s16, $0x3  }
0xf: {  	s22 =	sshll.u32 s21, $0xE;
	s24 =	sadd.s32 s16, s13;
	s25 =	sadd.s32 s16, s14  }
0x10: {  	s28 =	sadd.s32 s16, s15;
	p1 =	sne.s32 @p0 s2, $0xF;
	s21 =	simm.s32 $0x1  }
0x11: {  	s6 =	sadd.s32 s17, s23;
	s7 =	smax.u32 s7, $0x1;
	s23 =	sadd.s32 s16, s12  }
0x12: {  	s12 =	sadd.s32 s22, s1;
	s24 =	sshrl.u32 s24, $0x3;
	s26 =	sshrl.u32 s25, $0x3  }
0x13: {  	s29 =	sshrl.u32 s28, $0x3;
	s22 =	sadd.s32 s16, s22;
	p1 =	por p1, !p0  }
0x14: {  	s6 =	sadd.s32 $0x27000, s6;
	s23 =	sshrl.u32 s23, $0x3;
	s14 =	sadd.s32 s17, s24  }
0x15: {  	s15 =	sadd.s32 s17, s26;
	s16 =	sadd.s32 s17, s29;
	s22 =	sshrl.u32 s22, $0x3  }
0x16: {  	s13 =	sadd.s32 s17, s23;
	s17 =	sadd.s32 s17, s22;
	s22 =	sadd.s32 s31, s18  }
0x17: {  	v0 =	vimm.f32 $0.0e+00;
	s18 =	sadd.s32 $0x9D0200, s20;
	s20 =	simm.s32 $0x80;
	s19 =	sadd.s32 s19, s22  }
.LBB2_1:
0x18: {  	s22 =	simm.s32 $0x0;
	s23 =	simm.s32 $0x200  }
.LBB2_2:
0x19: {  	p2 =	sne.s32 s23, $0xFE00;
	[tilespmem:s22+$0xF0] =	vst v0  }
0x1a: {  	[tilespmem:s22+$0x80] =	vst v0  }
0x1b: {  	[tilespmem:s22+$0x90] =	vst v0  }
.Ltmp0:
0x1c: {  	[tilespmem:s22+$0xA0] =	vst v0;
	(pc) =	sbr.rel @p2 .LBB2_2-.Ltmp0, $4  }
0x1d: {  	[tilespmem:s22+$0xB0] =	vst v0  }
0x1e: {  	[tilespmem:s22+$0xC0] =	vst v0  }
0x1f: {  	[tilespmem:s22+$0xD0] =	vst v0  }
0x20: {  	[tilespmem:s22+$0xE0] =	vst v0;
	s22 =	sshra.s32 s23, $0x2;
	s23 =	sadd.s32 $0x200, s23  }
0x21: {  	[tilespmem:s22+$0xF0] =	vst v0  }
0x22: {  	[tilespmem:s22+$0x80] =	vst v0  }
0x23: {  	[tilespmem:s22+$0x90] =	vst v0  }
0x24: {  	[tilespmem:s22+$0xA0] =	vst v0  }
0x25: {  	[tilespmem:s22+$0xB0] =	vst v0  }
0x26: {  	[tilespmem:s22+$0xC0] =	vst v0  }
0x27: {  	[tilespmem:s22+$0xD0] =	vst v0  }
0x28: {  	[tilespmem:s22+$0xE0] =	vst v0  }
0x29: {  	[spmem:s8] =	stream.linear.scatter [tilespmem:s20], [sflag:$0x1], $0x4000, $0x38;
	[tilespmem:$0x17900] =	vst v63  }
0x2a: {  	_ =	swait.ge [sflag:s21], $0x4000  }
0x2b: {  	[sflag:s21] =	ssyncset.done $0x0  }
0x2c: {  	[sflag:s21] =	ssyncadd.s32 $0xFFFFC000  }
0x2d: {  	[spmem:s9] =	stream.linear.scatter [tilespmem:s20], [sflag:$0x1], $0x4000, $0x38;
	[tilespmem:$0x17900] =	vst v63  }
0x2e: {  	_ =	swait.ge [sflag:s21], $0x4000  }
0x2f: {  	[sflag:s21] =	ssyncset.done $0x0  }
0x30: {  	[sflag:s21] =	ssyncadd.s32 $0xFFFFC000  }
0x31: {  	[spmem:s10] =	stream.linear.scatter [tilespmem:s20], [sflag:$0x1], $0x4000, $0x38;
	[tilespmem:$0x17900] =	vst v63  }
0x32: {  	_ =	swait.ge [sflag:s21], $0x4000  }
0x33: {  	[sflag:s21] =	ssyncset.done $0x0  }
0x34: {  	[sflag:s21] =	ssyncadd.s32 $0xFFFFC000  }
0x35: {  	[spmem:s11] =	stream.linear.scatter [tilespmem:s20], [sflag:$0x1], $0x4000, $0x38;
	[tilespmem:$0x17900] =	vst v63  }
0x36: {  	_ =	swait.ge [sflag:s21], $0x4000  }
0x37: {  	[sflag:s21] =	ssyncset.done $0x0  }
0x38: {  	s22 =	simm.s32 @!p1 $0x80;
	[sflag:s21] =	ssyncadd.s32 $0xFFFFC000  }
0x39: {  	[spmem:s5] =	stream.linear.scatter @!p1 [tilespmem:s22], [sflag:$0x1], $0x800, $0x38;
	[tilespmem:$0x17900] =	vst v63  }
0x3a: {  	s22 =	simm.s32 @!p1 $0x1  }
0x3b: {  	_ =	swait.ge @!p1 [sflag:s22], $0x800  }
0x3c: {  	[sflag:s22] =	ssyncset.done @!p1 $0x0  }
0x3d: {  	[sflag:s22] =	ssyncadd.s32 @!p1 $0xFFFFF800;
	s22 =	simm.s32 @!p0 $0x80  }
0x3e: {  	[spmem:s12] =	stream.linear.scatter @!p0 [tilespmem:s22], [sflag:$0x1], $0x4000, $0x38;
	[tilespmem:$0x17900] =	vst v63  }
0x3f: {  	s22 =	simm.s32 @!p0 $0x1  }
0x40: {  	_ =	swait.ge @!p0 [sflag:s22], $0x4000  }
0x41: {  	s23 =	sadd.s32 $0x0, s4;
	[sflag:s22] =	ssyncset.done @!p0 $0x0  }
0x42: {  	p2 =	sgt.u32 s23, $0x9C3;
	[sflag:s22] =	ssyncadd.s32 @!p0 $0xFFFFC000  }
0x43: {  	s24 =	simm.s32 @!p2 $0x2;
	s22 =	simm.s32 @!p2 $0x0;
	[bflag:$0x0] =	sbarrier.arrive $0xFFFF  }
0x44: {  	[tilespmem:s22], [sflag:$0x2] =	stream.linear.gather @!p2 [hbm4b:s19+s22], $0x80, $0x38;
	[tilespmem:$0x17900] =	vst v63  }
0x45: {  	_ =	swait.ge @!p2 [sflag:s24], $0x80  }
0x46: {  	[sflag:s24] =	ssyncset.done @!p2 $0x0;
	p2 =	por p2, p2  }
0x47: {  	[sflag:s24] =	ssyncadd.s32 @!p2 $0xFFFFFF80;
	s26 =	simm.s32 @!p2 $0x80  }
0x48: {  	[tilespmem:s26], [sflag:$0x2] =	stream.linear.gather @!p2 [hbm4b:s18+s22], $0x4000, $0x38;
	[tilespmem:$0x17900] =	vst v63  }
0x49: {  	_ =	swait.ge @!p2 [sflag:s24], $0x4000  }
0x4a: {  	[sflag:s24] =	ssyncset.done @!p2 $0x0  }
0x4b: {  	s31 =	sadd.s32 $0x20, s4;
	s25 =	simm.s32 @!p2 $0x1;
	[sflag:s24] =	ssyncadd.s32 @!p2 $0xFFFFC000  }
0x4c: {  	[spmem:s1] =	stream.indirect.scatter.add.f32 @!p2 [tilespmem:s26], [sflag:$0x1], $0x80, s22, s26, $0xb8;
	[tilespmem:$0x17900] =	vst v63  }
0x4d: {  	s23 =	simm.s32 $0x40;
	p3 =	sgt.u32 s31, $0x9C3;
	_ =	swait.ge @!p2 [sflag:s25], $0x4000  }
0x4e: {  	s24 =	sadd.s32 $0x200, s19;
	s22 =	sadd.s32 $0x10000, s18;
	[sflag:s25] =	ssyncset.done @!p2 $0x0  }
.LBB2_4:
0x4f: {  	s26 =	simm.s32 @!p3 $0x0;
	s28 =	simm.s32 @!p3 $0x2;
	[sflag:s25] =	ssyncadd.s32 @!p2 $0xFFFFC000  }
0x50: {  	[tilespmem:s26], [sflag:$0x2] =	stream.linear.gather @!p3 [hbm4b:s24+s26], $0x80, $0x38;
	[tilespmem:$0x17900] =	vst v63  }
0x51: {  	s29 =	smov.u32 s23;
	s23 =	sadd.s32 $0x20, s23;
	_ =	swait.ge @!p3 [sflag:s28], $0x80  }
0x52: {  	p2 =	por p3, p3;
	p4 =	sne.s32 s23, $0x9E0;
	[sflag:s28] =	ssyncset.done @!p3 $0x0  }
0x53: {  	s30 =	simm.s32 @!p2 $0x80;
	[sflag:s28] =	ssyncadd.s32 @!p2 $0xFFFFFF80  }
0x54: {  	[tilespmem:s30], [sflag:$0x2] =	stream.linear.gather @!p2 [hbm4b:s22+s26], $0x4000, $0x38;
	[tilespmem:$0x17900] =	vst v63  }
0x55: {  	_ =	swait.ge @!p2 [sflag:s28], $0x4000  }
.Ltmp1:
0x56: {  	[sflag:s28] =	ssyncset.done @!p2 $0x0;
	(pc) =	sbr.rel @p4 .LBB2_4-.Ltmp1, $4  }
0x57: {  	s25 =	simm.s32 @!p2 $0x1;
	[sflag:s28] =	ssyncadd.s32 @!p2 $0xFFFFC000  }
0x58: {  	[spmem:s1] =	stream.indirect.scatter.add.f32 @!p2 [tilespmem:s30], [sflag:$0x1], $0x80, s26, s30, $0xb8;
	[tilespmem:$0x17900] =	vst v63  }
0x59: {  	s24 =	sadd.s32 $0x200, s24;
	s26 =	sadd.s32 s29, s4;
	_ =	swait.ge @!p2 [sflag:s25], $0x4000  }
0x5a: {  	s22 =	sadd.s32 $0x10000, s22;
	p3 =	sgt.u32 s26, $0x9C3;
	[sflag:s25] =	ssyncset.done @!p2 $0x0  }
0x5b: {  	s23 =	simm.s32 @!p3 $0x0;
	s26 =	simm.s32 @!p3 $0x2;
	[sflag:s25] =	ssyncadd.s32 @!p2 $0xFFFFC000  }
0x5c: {  	[tilespmem:s23], [sflag:$0x2] =	stream.linear.gather @!p3 [hbm4b:s24+s23], $0x80, $0x38;
	[tilespmem:$0x17900] =	vst v63  }
0x5d: {  	_ =	swait.ge @!p3 [sflag:s26], $0x80  }
0x5e: {  	p2 =	por p3, p3;
	[sflag:s26] =	ssyncset.done @!p3 $0x0  }
0x5f: {  	s24 =	simm.s32 @!p2 $0x80;
	[sflag:s26] =	ssyncadd.s32 @!p2 $0xFFFFFF80  }
0x60: {  	[tilespmem:s24], [sflag:$0x2] =	stream.linear.gather @!p2 [hbm4b:s22+s23], $0x4000, $0x38;
	[tilespmem:$0x17900] =	vst v63  }
0x61: {  	_ =	swait.ge @!p2 [sflag:s26], $0x4000  }
0x62: {  	[sflag:s26] =	ssyncset.done @!p2 $0x0  }
0x63: {  	s22 =	simm.s32 @!p2 $0x1;
	[sflag:s26] =	ssyncadd.s32 @!p2 $0xFFFFC000  }
0x64: {  	[spmem:s1] =	stream.indirect.scatter.add.f32 @!p2 [tilespmem:s24], [sflag:$0x1], $0x80, s23, s24, $0xb8;
	[tilespmem:$0x17900] =	vst v63  }
0x65: {  	_ =	swait.ge @!p2 [sflag:s22], $0x4000  }
0x66: {  	[sflag:s22] =	ssyncset.done @!p2 $0x0  }
0x67: {  	s26 =	sshll.u32 s2, $0x6;
	[sflag:s22] =	ssyncadd.s32 @!p2 $0xFFFFC000  }
0x68: {  	s28 =	sshrl.u32 s8, $0x3;
	s22 =	sor.u32 $0x1C01, s26;
	[bflag:$0x0] =	sbarrier.arrive $0xFFFF  }
0x69: {  	[hbm:s13], [sflag:s22] =	dma.local [spmem:s28], $0x800  }
0x6a: {  	_ =	swait.ge [sflag:s21], $0x800  }
0x6b: {  	[sflag:s21] =	ssyncset.done $0x0  }
0x6c: {  	s29 =	sshrl.u32 s9, $0x3;
	[sflag:s21] =	ssyncadd.s32 $0xFFFFF800  }
0x6d: {  	[hbm:s14], [sflag:s22] =	dma.local [spmem:s29], $0x800  }
0x6e: {  	_ =	swait.ge [sflag:s21], $0x800  }
0x6f: {  	[sflag:s21] =	ssyncset.done $0x0  }
0x70: {  	s30 =	sshrl.u32 s10, $0x3;
	[sflag:s21] =	ssyncadd.s32 $0xFFFFF800  }
0x71: {  	[hbm:s15], [sflag:s22] =	dma.local [spmem:s30], $0x800  }
0x72: {  	_ =	swait.ge [sflag:s21], $0x800  }
0x73: {  	[sflag:s21] =	ssyncset.done $0x0  }
0x74: {  	s31 =	sshrl.u32 s11, $0x3;
	[sflag:s21] =	ssyncadd.s32 $0xFFFFF800  }
0x75: {  	[hbm:s16], [sflag:s22] =	dma.local [spmem:s31], $0x800  }
0x76: {  	_ =	swait.ge [sflag:s21], $0x800  }
0x77: {  	[sflag:s21] =	ssyncset.done $0x0  }
0x78: {  	s23 =	sshrl.u32 @!p1 s5, $0x3;
	s24 =	simm.s32 @!p1 $0x1FC1;
	[sflag:s21] =	ssyncadd.s32 $0xFFFFF800  }
0x79: {  	[hbm:s6], [sflag:s24] =	dma.local @!p1 [spmem:s23], $0x100  }
0x7a: {  	s23 =	simm.s32 @!p1 $0x1  }
0x7b: {  	_ =	swait.ge @!p1 [sflag:s23], $0x100  }
0x7c: {  	s3 =	sadd.s32 $0x1, s3;
	[sflag:s23] =	ssyncset.done @!p1 $0x0  }
0x7d: {  	p2 =	sne.s32 s3, s7;
	[sflag:s23] =	ssyncadd.s32 @!p1 $0xFFFFFF00;
	s23 =	sshrl.u32 @!p0 s12, $0x3  }
0x7e: {  	[hbm:s17], [sflag:s22] =	dma.local @!p0 [spmem:s23], $0x800  }
.Ltmp2:
0x7f: {  	_ = 	snop;
	(pc) =	sbr.rel @p2 .LBB2_1-.Ltmp2, $4  }
0x80: {  	s22 =	simm.s32 @!p0 $0x1  }
0x81: {  	_ =	swait.ge @!p0 [sflag:s22], $0x800  }
0x82: {  	[sflag:s22] =	ssyncset.done @!p0 $0x0  }
0x83: {  	[sflag:s22] =	ssyncadd.s32 @!p0 $0xFFFFF800  }
0x84: {  	_ =	sfence.sel $0x180000  }
0x85: {  	[bflag:$0x0] =	sbarrier.arrive $0xFFFF  }
0x86: {  	p0 =	sne.s32 s2, $0x0;
	_ =	strace $0x9000004A  }
0x87: {  	s0 =	sadd.s32 @!p0 $0x100000, s0;
	[bflag:$0x2] =	sbarrier.arrive $0xFFFF  }
0x88: {  	[sflag:s0] =	ssyncadd.tile.s32 @!p0 $0x1;
	_ =	shalt  }
.Lfunc_end2:
_tile_overlayer_lowered:
.L_overlay_start_2:
0x89: {  	(tag) =	ssettag $0x2  }
0x8a: {  	s0 =	rddreg [dreg:$0x0];
	s2 =	stileid.u32  }
0x8b: {  	s1 =	rddreg [dreg:$0x1];
	p0 =	sne.s32 s2, $0x0  }
0x8c: {  	s3 =	rddreg [dreg:$0x2];
	[bflag:$0x3] =	sbarrier.arrive $0xFFFF;
	s2 =	simm.s32 @!p0 $0x1C01  }
0x8d: {  	[timem:s3], [sflag:s2] =	dma.local @!p0 [hbm:s0], s1  }
0x8e: {  	s0 =	simm.s32 @!p0 $0x1  }
0x8f: {  	_ =	swait.ge @!p0 [sflag:s0], s1  }
0x90: {  	s1 =	ssub.s32 @!p0 $0x0, s1;
	[sflag:s0] =	ssyncset.done @!p0 $0x0  }
0x91: {  	[sflag:s0] =	ssyncadd.s32 @!p0 s1  }
0x92: {  	[bflag:$0x3] =	sbarrier.arrive $0xFFFF  }
0x93: {  	_ =	shalt  }

</sc_bundles>
